<compile_context>
chip_gen: v7x
topology: tpu7x:2x2x1
jax: 0.10.2.dev20260603
libtpu: 0.0.44.dev20260713+nightly
codegen_flags: <defaults>
</compile_context>

<pallas_src>
import functools

import jax
import jax.numpy as jnp
from jax import lax
from jax.experimental import pallas as pl
from jax.experimental.pallas import tpu as pltpu
from jax.experimental.pallas import tpu_sc as plsc

N_NODES = 10000
N_EDGES = 320000
D = 128
R = 8

BN = 2000
EB = 500
ZB = 2016

CHUNK = 128
NUM_CHUNKS = N_EDGES // CHUNK
NUM_WORKERS = 32
BASE_CHUNKS = NUM_CHUNKS // NUM_WORKERS
EXTRA_CHUNKS = NUM_CHUNKS - BASE_CHUNKS * NUM_WORKERS
N_PAD = 10112
ROWS_PER_TILE = N_PAD // 16


EBK = N_EDGES // (N_NODES // BN)


def _tc_prep_body(x_ref, w_ref, sw_ref, bias_ref, t_ref, ei_ref,
                  h_ref, self_ref, z_ref, g_ref, d_ref):
    xb = x_ref[...]
    for r in range(R):
        h_ref[r] = jnp.dot(xb, w_ref[r], preferred_element_type=jnp.float32)
    self_ref[...] = (
        jnp.dot(xb, sw_ref[...], preferred_element_type=jnp.float32)
        + bias_ref[...]
    )
    z_ref[...] = jnp.zeros((ZB, D), jnp.float32)

    @pl.when(pl.program_id(0) == 0)
    def _():
        g_ref[...] = t_ref[...] * N_NODES + ei_ref[0]
        d_ref[...] = ei_ref[1]


_tc_prep = pl.pallas_call(
    _tc_prep_body,
    grid=(N_NODES // BN,),
    in_specs=[
        pl.BlockSpec((BN, D), lambda i: (i, 0)),
        pl.BlockSpec((R, D, D), lambda i: (0, 0, 0)),
        pl.BlockSpec((D, D), lambda i: (0, 0)),
        pl.BlockSpec((1, D), lambda i: (0, 0)),
        pl.BlockSpec((N_EDGES,), lambda i: (0,)),
        pl.BlockSpec((2, N_EDGES), lambda i: (0, 0)),
    ],
    out_specs=[
        pl.BlockSpec((R, BN, D), lambda i: (0, i, 0)),
        pl.BlockSpec((BN, D), lambda i: (i, 0)),
        pl.BlockSpec((ZB, D), lambda i: (i, 0)),
        pl.BlockSpec((N_EDGES,), lambda i: (0,)),
        pl.BlockSpec((N_EDGES,), lambda i: (0,)),
    ],
    out_shape=[
        jax.ShapeDtypeStruct((R, N_NODES, D), jnp.float32),
        jax.ShapeDtypeStruct((N_NODES, D), jnp.float32),
        jax.ShapeDtypeStruct((N_PAD, D), jnp.float32),
        jax.ShapeDtypeStruct((N_EDGES,), jnp.int32),
        jax.ShapeDtypeStruct((N_EDGES,), jnp.int32),
    ],
)


def _tc_combine_body(acc_ref, self_ref, o_ref):
    o_ref[...] = jnp.maximum(self_ref[...] + acc_ref[0] + acc_ref[1], 0.0)


_tc_combine = pl.pallas_call(
    _tc_combine_body,
    grid=(N_NODES // BN,),
    in_specs=[
        pl.BlockSpec((2, BN, D), lambda i: (0, i, 0)),
        pl.BlockSpec((BN, D), lambda i: (i, 0)),
    ],
    out_specs=pl.BlockSpec((BN, D), lambda i: (i, 0)),
    out_shape=jax.ShapeDtypeStruct((N_NODES, D), jnp.float32),
)


@functools.cache
def _make_sc_scatter():
    @functools.partial(
        pl.kernel,
        mesh=plsc.VectorSubcoreMesh(core_axis_name="c", subcore_axis_name="s"),
        out_type=jax.ShapeDtypeStruct((2, N_PAD, D), jnp.float32),
        scratch_types=[
            pltpu.VMEM((CHUNK,), jnp.int32),
            pltpu.VMEM((CHUNK,), jnp.int32),
            pltpu.VMEM((CHUNK,), jnp.int32),
            pltpu.VMEM((CHUNK,), jnp.int32),
            pltpu.VMEM((CHUNK,), jnp.int32),
            pltpu.VMEM((CHUNK,), jnp.int32),
            pltpu.VMEM((CHUNK, D), jnp.float32),
            pltpu.VMEM((CHUNK, D), jnp.float32),
            pltpu.VMEM((CHUNK, D), jnp.float32),
            pltpu.VMEM_SHARED((N_PAD, D), jnp.float32),
            pltpu.SemaphoreType.DMA,
            pltpu.SemaphoreType.DMA,
            pltpu.SemaphoreType.DMA,
            pltpu.SemaphoreType.DMA,
            pltpu.SemaphoreType.DMA,
            pltpu.SemaphoreType.DMA,
            pltpu.SemaphoreType.DMA,
            pltpu.SemaphoreType.DMA,
            pltpu.SemaphoreType.DMA,
            pltpu.SemaphoreType.DMA,
            pltpu.SemaphoreType.DMA,
            pltpu.SemaphoreType.DMA,
        ],
    )
    def _sc_scatter(h_hbm, g_hbm, dst_hbm, zeros_hbm, acc_hbm,
                    g0, g1, g2, d0, d1, d2, r0, r1, r2, acc_sh,
                    gs0, gs1, gs2, ss0, ss1, ss2,
                    dg0, dg1, dg2, ds0, ds1, ds2):
        G = (g0, g1, g2)
        Dx = (d0, d1, d2)
        Rw = (r0, r1, r2)
        GS = (gs0, gs1, gs2)
        SS = (ss0, ss1, ss2)
        DG = (dg0, dg1, dg2)
        DS = (ds0, ds1, ds2)

        c = lax.axis_index("c")
        s = lax.axis_index("s")
        wid = s * 2 + c

        pltpu.sync_copy(
            zeros_hbm.at[pl.ds(s * ROWS_PER_TILE, ROWS_PER_TILE)],
            acc_sh.at[pl.ds(s * ROWS_PER_TILE, ROWS_PER_TILE)],
        )
        plsc.subcore_barrier()

        start = wid * BASE_CHUNKS

        def fire_load_g(j, sl):
            pltpu.async_copy(
                g_hbm.at[pl.ds((start + j) * CHUNK, CHUNK)], G[sl], DG[sl])

        def wait_load_g(j, sl):
            pltpu.make_async_copy(
                g_hbm.at[pl.ds((start + j) * CHUNK, CHUNK)], G[sl],
                DG[sl]).wait()

        def fire_load_d(j, sl):
            pltpu.async_copy(
                dst_hbm.at[pl.ds((start + j) * CHUNK, CHUNK)], Dx[sl], DS[sl])

        def wait_load_d(j, sl):
            pltpu.make_async_copy(
                dst_hbm.at[pl.ds((start + j) * CHUNK, CHUNK)], Dx[sl],
                DS[sl]).wait()

        def fire_gather(sl):
            pltpu.async_copy(h_hbm.at[G[sl]], Rw[sl], GS[sl])

        def wait_gather(sl):
            pltpu.make_async_copy(h_hbm.at[G[sl]], Rw[sl], GS[sl]).wait()

        def fire_scatter(sl):
            pltpu.async_copy(Rw[sl], acc_sh.at[Dx[sl]], SS[sl], add=True)

        def wait_scatter(sl):
            pltpu.make_async_copy(Rw[sl], acc_sh.at[Dx[sl]], SS[sl]).wait()

        fire_load_g(0, 0)
        fire_load_g(1, 1)
        fire_load_g(2, 2)
        fire_load_d(0, 0)
        fire_load_d(1, 1)
        wait_load_g(0, 0)
        fire_gather(0)
        wait_load_g(1, 1)
        fire_gather(1)
        wait_gather(0)
        wait_load_d(0, 0)
        fire_scatter(0)
        fire_load_d(2, 2)
        wait_load_g(2, 2)
        fire_gather(2)
        wait_gather(1)
        wait_load_d(1, 1)
        fire_scatter(1)
        fire_load_g(3, 0)

        def steady(j, sl):
            sp1 = (sl + 1) % 3
            sp2 = (sl + 2) % 3
            wait_scatter(sp1)
            fire_load_d(j + 1, sp1)
            wait_load_g(j + 1, sp1)
            fire_gather(sp1)
            wait_gather(sl)
            wait_load_d(j, sl)
            fire_scatter(sl)
            fire_load_g(j + 2, sp2)

        def loop_body(jj, carry):
            j = 3 * jj + 2
            steady(j, 2)
            steady(j + 1, 0)
            steady(j + 2, 1)
            return carry

        lax.fori_loop(0, (BASE_CHUNKS - 3) // 3, loop_body, 0)

        wait_scatter(0)
        wait_gather(2)
        wait_load_d(BASE_CHUNKS - 1, 2)
        fire_scatter(2)
        wait_scatter(1)
        wait_scatter(2)
        wait_load_g(BASE_CHUNKS, 0)

        @pl.when(wid < EXTRA_CHUNKS)
        def _():
            e0 = (NUM_CHUNKS - EXTRA_CHUNKS + wid) * CHUNK
            pltpu.sync_copy(g_hbm.at[pl.ds(e0, CHUNK)], G[0])
            pltpu.sync_copy(dst_hbm.at[pl.ds(e0, CHUNK)], Dx[0])
            pltpu.async_copy(h_hbm.at[G[0]], Rw[0], GS[0]).wait()
            pltpu.sync_copy(Rw[0], acc_sh.at[Dx[0]], add=True)

        plsc.subcore_barrier()
        pltpu.sync_copy(
            acc_sh.at[pl.ds(s * ROWS_PER_TILE, ROWS_PER_TILE)],
            acc_hbm.at[c].at[pl.ds(s * ROWS_PER_TILE, ROWS_PER_TILE)],
        )

    return _sc_scatter


def kernel(x, edge_index, edge_types, relation_weights, self_weight, bias):
    bias2d = bias.reshape(1, D)

    h, self_msg, zeros, g, dst = _tc_prep(
        x, relation_weights, self_weight, bias2d, edge_types, edge_index)
    h_flat = h.reshape(R * N_NODES, D)

    acc = _make_sc_scatter()(h_flat, g, dst, zeros)
    return _tc_combine(acc, self_msg)

# --- scband reference (transcript-rebuilt; emitter-appended) ---
"""Pipeline reference for scband-rgcnlayer-6854767805049 (READ-ONLY COPY).

The authoritative reference and input builder live on the scoring server;
editing this copy changes nothing except your own understanding.
"""

import jax, jax.numpy as jnp
import numpy as np

N = 10000
E = 320000
D_IN = 128
D_OUT = 128
R = 8


def setup_inputs(seed: int = 0) -> dict:
    key = jax.random.key(seed)
    k1, k2, k3, k4, k5 = jax.random.split(key, 5)
    x = jax.random.normal(k1, (N, D_IN), dtype=jnp.float32)
    edge_index = jax.random.randint(k2, (2, E), 0, N, dtype=jnp.int32)
    edge_types = jax.random.randint(k3, (E,), 0, R, dtype=jnp.int32)
    # learned parameters (xavier-uniform-like scaling)
    scale_rel = np.sqrt(6.0 / (D_IN + D_OUT))
    relation_weights = jax.random.uniform(k4, (R, D_IN, D_OUT), dtype=jnp.float32, minval=-scale_rel, maxval=scale_rel)
    self_weight = jax.random.uniform(k5, (D_IN, D_OUT), dtype=jnp.float32, minval=-scale_rel, maxval=scale_rel)
    bias = jnp.zeros((D_OUT,), dtype=jnp.float32)
    return {"x": x, "edge_index": edge_index, "edge_types": edge_types,
            "relation_weights": relation_weights, "self_weight": self_weight, "bias": bias}


def reference(x, edge_index, edge_types, relation_weights, self_weight, bias):
    num_nodes = x.shape[0]
    # self loop message
    self_message = jnp.dot(x, self_weight)
    src = edge_index[0]
    dst = edge_index[1]
    # per-edge relation weight gather (equivalent to per-relation masked loop)
    w_e = relation_weights[edge_types]            # (E, in, out)
    src_features = x[src]                          # (E, in)
    messages = jnp.einsum('ei,eio->eo', src_features, w_e)  # (E, out)
    neighbor_message = jnp.zeros((num_nodes, self_weight.shape[1]), dtype=x.dtype).at[dst].add(messages)
    out = self_message + neighbor_message + bias
    # dropout p=0.0 -> identity
    out = jax.nn.relu(out)
    return out

if __name__ == "__main__":
    import jax
    _d = setup_inputs()
    print(jax.jit(kernel)(*tuple(_d.values())))

</pallas_src>

<mosaic_0001>
#map = affine_map<(d0, d1) -> (0, 0)>
#map1 = affine_map<(d0, d1) -> (0)>
#map2 = affine_map<(d0, d1) -> (0, 0, 0)>
module attributes {stable_mosaic.version = 14 : i64} {
  func.func @_sc_scatter(%arg0: i32, %arg1: i32, %arg2: memref<80000x128xf32, #tpu.memory_space<hbm>>, %arg3: memref<320000xi32, #tpu.memory_space<hbm>>, %arg4: memref<320000xi32, #tpu.memory_space<hbm>>, %arg5: memref<10112x128xf32, #tpu.memory_space<hbm>>, %arg6: memref<2x10112x128xf32, #tpu.memory_space<hbm>>, %arg7: memref<128xi32, #tpu.memory_space<vmem>>, %arg8: memref<128xi32, #tpu.memory_space<vmem>>, %arg9: memref<128xi32, #tpu.memory_space<vmem>>, %arg10: memref<128xi32, #tpu.memory_space<vmem>>, %arg11: memref<128xi32, #tpu.memory_space<vmem>>, %arg12: memref<128xi32, #tpu.memory_space<vmem>>, %arg13: memref<128x128xf32, #tpu.memory_space<vmem>>, %arg14: memref<128x128xf32, #tpu.memory_space<vmem>>, %arg15: memref<128x128xf32, #tpu.memory_space<vmem>>, %arg16: memref<10112x128xf32, #tpu.memory_space<vmem_shared>>, %arg17: memref<!tpu.dma_semaphore, #tpu.memory_space<semaphore_mem>>, %arg18: memref<!tpu.dma_semaphore, #tpu.memory_space<semaphore_mem>>, %arg19: memref<!tpu.dma_semaphore, #tpu.memory_space<semaphore_mem>>, %arg20: memref<!tpu.dma_semaphore, #tpu.memory_space<semaphore_mem>>, %arg21: memref<!tpu.dma_semaphore, #tpu.memory_space<semaphore_mem>>, %arg22: memref<!tpu.dma_semaphore, #tpu.memory_space<semaphore_mem>>, %arg23: memref<!tpu.dma_semaphore, #tpu.memory_space<semaphore_mem>>, %arg24: memref<!tpu.dma_semaphore, #tpu.memory_space<semaphore_mem>>, %arg25: memref<!tpu.dma_semaphore, #tpu.memory_space<semaphore_mem>>, %arg26: memref<!tpu.dma_semaphore, #tpu.memory_space<semaphore_mem>>, %arg27: memref<!tpu.dma_semaphore, #tpu.memory_space<semaphore_mem>>, %arg28: memref<!tpu.dma_semaphore, #tpu.memory_space<semaphore_mem>>) attributes {dimension_semantics = [#tpu.dimension_semantics<core_parallel>, #tpu.dimension_semantics<subcore_parallel>], iteration_bounds = array<i64: 2, 16>, scalar_prefetch = 0 : i64, scratch_operands = 22 : i64, tpu.core_type = #tpu.core_type<sc_vector_subcore>, window_params = [{transform_indices = #map}, {transform_indices = #map1}, {transform_indices = #map1}, {transform_indices = #map}, {transform_indices = #map2}]} {
    %mul3A = arith.constant 2 : i32
    %mul3A_0 = arith.muli %arg1, %mul3A : i32
    %add3A = arith.addi %mul3A_0, %arg0 : i32
    %mul3A_1 = arith.constant 632 : i32
    %mul3A_2 = arith.muli %arg1, %mul3A_1 : i32
    %mul3A_3 = arith.constant 632 : i32
    %mul3A_4 = arith.muli %arg1, %mul3A_3 : i32
    "tpu.region"() ({
      %run_scoped3A = tpu.sem_alloc : memref<!tpu.dma_semaphore, #tpu.memory_space<semaphore_mem>>
      %dma_start3A_137 = arith.constant 0 : i32
      %dma_start3A_138 = tpu.memref_slice %arg16[%mul3A_4, %dma_start3A_137] : memref<10112x128xf32, #tpu.memory_space<vmem_shared>> -> memref<632x128xf32, #tpu.memory_space<vmem_shared>>
      %dma_start3A_139 = arith.constant 0 : i32
      %dma_start3A_140 = tpu.memref_slice %arg5[%mul3A_2, %dma_start3A_139] : memref<10112x128xf32, #tpu.memory_space<hbm>> -> memref<632x128xf32, #tpu.memory_space<hbm>>
      tpu.enqueue_dma source(%dma_start3A_140 : memref<632x128xf32, #tpu.memory_space<hbm>>) target(%dma_start3A_138 : memref<632x128xf32, #tpu.memory_space<vmem_shared>>) target_semaphore(%run_scoped3A : memref<!tpu.dma_semaphore, #tpu.memory_space<semaphore_mem>>)
      %dma_wait3A_141 = arith.constant 0 : i32
      %dma_wait3A_142 = tpu.memref_slice %arg16[%mul3A_4, %dma_wait3A_141] : memref<10112x128xf32, #tpu.memory_space<vmem_shared>> -> memref<632x128xf32, #tpu.memory_space<vmem_shared>>
      %dma_wait3A_143 = arith.constant 0 : i32
      %dma_wait3A_144 = tpu.memref_slice %arg5[%mul3A_2, %dma_wait3A_143] : memref<10112x128xf32, #tpu.memory_space<hbm>> -> memref<632x128xf32, #tpu.memory_space<hbm>>
      tpu.wait_dma2 semaphore(%run_scoped3A : memref<!tpu.dma_semaphore, #tpu.memory_space<semaphore_mem>>) src(%dma_wait3A_144 : memref<632x128xf32, #tpu.memory_space<hbm>>) dst(%dma_wait3A_142 : memref<632x128xf32, #tpu.memory_space<vmem_shared>>)
      tpu.yield
    }) : () -> ()
    %barrier3A = arith.constant 0 : index
    tpu.barrier barrier_id(%barrier3A)
    %mul3A_5 = arith.constant 78 : i32
    %mul3A_6 = arith.muli %add3A, %mul3A_5 : i32
    %add3A_7 = arith.constant 0 : i32
    %add3A_8 = arith.addi %mul3A_6, %add3A_7 : i32
    %mul3A_9 = arith.constant 128 : i32
    %mul3A_10 = arith.muli %add3A_8, %mul3A_9 : i32
    %dma_start3A = tpu.memref_slice %arg3[%mul3A_10] : memref<320000xi32, #tpu.memory_space<hbm>> -> memref<128xi32, #tpu.memory_space<hbm>>
    %dma_start3A_11 = tpu.memref_slice %arg3[%mul3A_10] : memref<320000xi32, #tpu.memory_space<hbm>> -> memref<128xi32, #tpu.memory_space<hbm>>
    tpu.enqueue_dma source(%dma_start3A_11 : memref<128xi32, #tpu.memory_space<hbm>>) target(%arg7 : memref<128xi32, #tpu.memory_space<vmem>>) target_semaphore(%arg23 : memref<!tpu.dma_semaphore, #tpu.memory_space<semaphore_mem>>)
    %add3A_12 = arith.constant 1 : i32
    %add3A_13 = arith.addi %mul3A_6, %add3A_12 : i32
    %mul3A_14 = arith.constant 128 : i32
    %mul3A_15 = arith.muli %add3A_13, %mul3A_14 : i32
    %dma_start3A_16 = tpu.memref_slice %arg3[%mul3A_15] : memref<320000xi32, #tpu.memory_space<hbm>> -> memref<128xi32, #tpu.memory_space<hbm>>
    %dma_start3A_17 = tpu.memref_slice %arg3[%mul3A_15] : memref<320000xi32, #tpu.memory_space<hbm>> -> memref<128xi32, #tpu.memory_space<hbm>>
    tpu.enqueue_dma source(%dma_start3A_17 : memref<128xi32, #tpu.memory_space<hbm>>) target(%arg8 : memref<128xi32, #tpu.memory_space<vmem>>) target_semaphore(%arg24 : memref<!tpu.dma_semaphore, #tpu.memory_space<semaphore_mem>>)
    %add3A_18 = arith.constant 2 : i32
    %add3A_19 = arith.addi %mul3A_6, %add3A_18 : i32
    %mul3A_20 = arith.constant 128 : i32
    %mul3A_21 = arith.muli %add3A_19, %mul3A_20 : i32
    %dma_start3A_22 = tpu.memref_slice %arg3[%mul3A_21] : memref<320000xi32, #tpu.memory_space<hbm>> -> memref<128xi32, #tpu.memory_space<hbm>>
    %dma_start3A_23 = tpu.memref_slice %arg3[%mul3A_21] : memref<320000xi32, #tpu.memory_space<hbm>> -> memref<128xi32, #tpu.memory_space<hbm>>
    tpu.enqueue_dma source(%dma_start3A_23 : memref<128xi32, #tpu.memory_space<hbm>>) target(%arg9 : memref<128xi32, #tpu.memory_space<vmem>>) target_semaphore(%arg25 : memref<!tpu.dma_semaphore, #tpu.memory_space<semaphore_mem>>)
    %add3A_24 = arith.constant 0 : i32
    %add3A_25 = arith.addi %mul3A_6, %add3A_24 : i32
    %mul3A_26 = arith.constant 128 : i32
    %mul3A_27 = arith.muli %add3A_25, %mul3A_26 : i32
    %dma_start3A_28 = tpu.memref_slice %arg4[%mul3A_27] : memref<320000xi32, #tpu.memory_space<hbm>> -> memref<128xi32, #tpu.memory_space<hbm>>
    %dma_start3A_29 = tpu.memref_slice %arg4[%mul3A_27] : memref<320000xi32, #tpu.memory_space<hbm>> -> memref<128xi32, #tpu.memory_space<hbm>>
    tpu.enqueue_dma source(%dma_start3A_29 : memref<128xi32, #tpu.memory_space<hbm>>) target(%arg10 : memref<128xi32, #tpu.memory_space<vmem>>) target_semaphore(%arg26 : memref<!tpu.dma_semaphore, #tpu.memory_space<semaphore_mem>>)
    %add3A_30 = arith.constant 1 : i32
    %add3A_31 = arith.addi %mul3A_6, %add3A_30 : i32
    %mul3A_32 = arith.constant 128 : i32
    %mul3A_33 = arith.muli %add3A_31, %mul3A_32 : i32
    %dma_start3A_34 = tpu.memref_slice %arg4[%mul3A_33] : memref<320000xi32, #tpu.memory_space<hbm>> -> memref<128xi32, #tpu.memory_space<hbm>>
    %dma_start3A_35 = tpu.memref_slice %arg4[%mul3A_33] : memref<320000xi32, #tpu.memory_space<hbm>> -> memref<128xi32, #tpu.memory_space<hbm>>
    tpu.enqueue_dma source(%dma_start3A_35 : memref<128xi32, #tpu.memory_space<hbm>>) target(%arg11 : memref<128xi32, #tpu.memory_space<vmem>>) target_semaphore(%arg27 : memref<!tpu.dma_semaphore, #tpu.memory_space<semaphore_mem>>)
    %add3A_36 = arith.constant 0 : i32
    %add3A_37 = arith.addi %mul3A_6, %add3A_36 : i32
    %mul3A_38 = arith.constant 128 : i32
    %mul3A_39 = arith.muli %add3A_37, %mul3A_38 : i32
    %dma_wait3A = tpu.memref_slice %arg3[%mul3A_39] : memref<320000xi32, #tpu.memory_space<hbm>> -> memref<128xi32, #tpu.memory_space<hbm>>
    %dma_wait3A_40 = tpu.memref_slice %arg3[%mul3A_39] : memref<320000xi32, #tpu.memory_space<hbm>> -> memref<128xi32, #tpu.memory_space<hbm>>
    tpu.wait_dma2 semaphore(%arg23 : memref<!tpu.dma_semaphore, #tpu.memory_space<semaphore_mem>>) src(%dma_wait3A_40 : memref<128xi32, #tpu.memory_space<hbm>>) dst(%arg7 : memref<128xi32, #tpu.memory_space<vmem>>)
    %dma_start3A_41 = arith.constant 0 : i32
    %dma_start3A_42 = arith.constant 0 : i32
    %dma_start3A_43 = tpu.memref_slice %arg2[%dma_start3A_41, %dma_start3A_42] : memref<80000x128xf32, #tpu.memory_space<hbm>> -> memref<80000x128xf32, #tpu.memory_space<hbm>>
    tpu.enqueue_indirect_dma source(%dma_start3A_43 : memref<80000x128xf32, #tpu.memory_space<hbm>>) target(%arg13 : memref<128x128xf32, #tpu.memory_space<vmem>>) offsets(%arg7 : memref<128xi32, #tpu.memory_space<vmem>>) semaphore(%arg17 : memref<!tpu.dma_semaphore, #tpu.memory_space<semaphore_mem>>)
    %add3A_44 = arith.constant 1 : i32
    %add3A_45 = arith.addi %mul3A_6, %add3A_44 : i32
    %mul3A_46 = arith.constant 128 : i32
    %mul3A_47 = arith.muli %add3A_45, %mul3A_46 : i32
    %dma_wait3A_48 = tpu.memref_slice %arg3[%mul3A_47] : memref<320000xi32, #tpu.memory_space<hbm>> -> memref<128xi32, #tpu.memory_space<hbm>>
    %dma_wait3A_49 = tpu.memref_slice %arg3[%mul3A_47] : memref<320000xi32, #tpu.memory_space<hbm>> -> memref<128xi32, #tpu.memory_space<hbm>>
    tpu.wait_dma2 semaphore(%arg24 : memref<!tpu.dma_semaphore, #tpu.memory_space<semaphore_mem>>) src(%dma_wait3A_49 : memref<128xi32, #tpu.memory_space<hbm>>) dst(%arg8 : memref<128xi32, #tpu.memory_space<vmem>>)
    %dma_start3A_50 = arith.constant 0 : i32
    %dma_start3A_51 = arith.constant 0 : i32
    %dma_start3A_52 = tpu.memref_slice %arg2[%dma_start3A_50, %dma_start3A_51] : memref<80000x128xf32, #tpu.memory_space<hbm>> -> memref<80000x128xf32, #tpu.memory_space<hbm>>
    tpu.enqueue_indirect_dma source(%dma_start3A_52 : memref<80000x128xf32, #tpu.memory_space<hbm>>) target(%arg14 : memref<128x128xf32, #tpu.memory_space<vmem>>) offsets(%arg8 : memref<128xi32, #tpu.memory_space<vmem>>) semaphore(%arg18 : memref<!tpu.dma_semaphore, #tpu.memory_space<semaphore_mem>>)
    %dma_wait3A_53 = arith.constant 0 : i32
    %dma_wait3A_54 = arith.constant 0 : i32
    %dma_wait3A_55 = tpu.memref_slice %arg2[%dma_wait3A_53, %dma_wait3A_54] : memref<80000x128xf32, #tpu.memory_space<hbm>> -> memref<80000x128xf32, #tpu.memory_space<hbm>>
    tpu.wait_indirect_dma semaphore(%arg17 : memref<!tpu.dma_semaphore, #tpu.memory_space<semaphore_mem>>) src(%dma_wait3A_55 : memref<80000x128xf32, #tpu.memory_space<hbm>>) dst(%arg13 : memref<128x128xf32, #tpu.memory_space<vmem>>)
    %add3A_56 = arith.constant 0 : i32
    %add3A_57 = arith.addi %mul3A_6, %add3A_56 : i32
    %mul3A_58 = arith.constant 128 : i32
    %mul3A_59 = arith.muli %add3A_57, %mul3A_58 : i32
    %dma_wait3A_60 = tpu.memref_slice %arg4[%mul3A_59] : memref<320000xi32, #tpu.memory_space<hbm>> -> memref<128xi32, #tpu.memory_space<hbm>>
    %dma_wait3A_61 = tpu.memref_slice %arg4[%mul3A_59] : memref<320000xi32, #tpu.memory_space<hbm>> -> memref<128xi32, #tpu.memory_space<hbm>>
    tpu.wait_dma2 semaphore(%arg26 : memref<!tpu.dma_semaphore, #tpu.memory_space<semaphore_mem>>) src(%dma_wait3A_61 : memref<128xi32, #tpu.memory_space<hbm>>) dst(%arg10 : memref<128xi32, #tpu.memory_space<vmem>>)
    %dma_start3A_62 = arith.constant 0 : i32
    %dma_start3A_63 = arith.constant 0 : i32
    %dma_start3A_64 = tpu.memref_slice %arg16[%dma_start3A_62, %dma_start3A_63] : memref<10112x128xf32, #tpu.memory_space<vmem_shared>> -> memref<10112x128xf32, #tpu.memory_space<vmem_shared>>
    tpu.enqueue_indirect_dma source(%arg13 : memref<128x128xf32, #tpu.memory_space<vmem>>) target(%dma_start3A_64 : memref<10112x128xf32, #tpu.memory_space<vmem_shared>>) offsets(%arg10 : memref<128xi32, #tpu.memory_space<vmem>>) semaphore(%arg20 : memref<!tpu.dma_semaphore, #tpu.memory_space<semaphore_mem>>) {add = true}
    %add3A_65 = arith.constant 2 : i32
    %add3A_66 = arith.addi %mul3A_6, %add3A_65 : i32
    %mul3A_67 = arith.constant 128 : i32
    %mul3A_68 = arith.muli %add3A_66, %mul3A_67 : i32
    %dma_start3A_69 = tpu.memref_slice %arg4[%mul3A_68] : memref<320000xi32, #tpu.memory_space<hbm>> -> memref<128xi32, #tpu.memory_space<hbm>>
    %dma_start3A_70 = tpu.memref_slice %arg4[%mul3A_68] : memref<320000xi32, #tpu.memory_space<hbm>> -> memref<128xi32, #tpu.memory_space<hbm>>
    tpu.enqueue_dma source(%dma_start3A_70 : memref<128xi32, #tpu.memory_space<hbm>>) target(%arg12 : memref<128xi32, #tpu.memory_space<vmem>>) target_semaphore(%arg28 : memref<!tpu.dma_semaphore, #tpu.memory_space<semaphore_mem>>)
    %add3A_71 = arith.constant 2 : i32
    %add3A_72 = arith.addi %mul3A_6, %add3A_71 : i32
    %mul3A_73 = arith.constant 128 : i32
    %mul3A_74 = arith.muli %add3A_72, %mul3A_73 : i32
    %dma_wait3A_75 = tpu.memref_slice %arg3[%mul3A_74] : memref<320000xi32, #tpu.memory_space<hbm>> -> memref<128xi32, #tpu.memory_space<hbm>>
    %dma_wait3A_76 = tpu.memref_slice %arg3[%mul3A_74] : memref<320000xi32, #tpu.memory_space<hbm>> -> memref<128xi32, #tpu.memory_space<hbm>>
    tpu.wait_dma2 semaphore(%arg25 : memref<!tpu.dma_semaphore, #tpu.memory_space<semaphore_mem>>) src(%dma_wait3A_76 : memref<128xi32, #tpu.memory_space<hbm>>) dst(%arg9 : memref<128xi32, #tpu.memory_space<vmem>>)
    %dma_start3A_77 = arith.constant 0 : i32
    %dma_start3A_78 = arith.constant 0 : i32
    %dma_start3A_79 = tpu.memref_slice %arg2[%dma_start3A_77, %dma_start3A_78] : memref<80000x128xf32, #tpu.memory_space<hbm>> -> memref<80000x128xf32, #tpu.memory_space<hbm>>
    tpu.enqueue_indirect_dma source(%dma_start3A_79 : memref<80000x128xf32, #tpu.memory_space<hbm>>) target(%arg15 : memref<128x128xf32, #tpu.memory_space<vmem>>) offsets(%arg9 : memref<128xi32, #tpu.memory_space<vmem>>) semaphore(%arg19 : memref<!tpu.dma_semaphore, #tpu.memory_space<semaphore_mem>>)
    %dma_wait3A_80 = arith.constant 0 : i32
    %dma_wait3A_81 = arith.constant 0 : i32
    %dma_wait3A_82 = tpu.memref_slice %arg2[%dma_wait3A_80, %dma_wait3A_81] : memref<80000x128xf32, #tpu.memory_space<hbm>> -> memref<80000x128xf32, #tpu.memory_space<hbm>>
    tpu.wait_indirect_dma semaphore(%arg18 : memref<!tpu.dma_semaphore, #tpu.memory_space<semaphore_mem>>) src(%dma_wait3A_82 : memref<80000x128xf32, #tpu.memory_space<hbm>>) dst(%arg14 : memref<128x128xf32, #tpu.memory_space<vmem>>)
    %add3A_83 = arith.constant 1 : i32
    %add3A_84 = arith.addi %mul3A_6, %add3A_83 : i32
    %mul3A_85 = arith.constant 128 : i32
    %mul3A_86 = arith.muli %add3A_84, %mul3A_85 : i32
    %dma_wait3A_87 = tpu.memref_slice %arg4[%mul3A_86] : memref<320000xi32, #tpu.memory_space<hbm>> -> memref<128xi32, #tpu.memory_space<hbm>>
    %dma_wait3A_88 = tpu.memref_slice %arg4[%mul3A_86] : memref<320000xi32, #tpu.memory_space<hbm>> -> memref<128xi32, #tpu.memory_space<hbm>>
    tpu.wait_dma2 semaphore(%arg27 : memref<!tpu.dma_semaphore, #tpu.memory_space<semaphore_mem>>) src(%dma_wait3A_88 : memref<128xi32, #tpu.memory_space<hbm>>) dst(%arg11 : memref<128xi32, #tpu.memory_space<vmem>>)
    %dma_start3A_89 = arith.constant 0 : i32
    %dma_start3A_90 = arith.constant 0 : i32
    %dma_start3A_91 = tpu.memref_slice %arg16[%dma_start3A_89, %dma_start3A_90] : memref<10112x128xf32, #tpu.memory_space<vmem_shared>> -> memref<10112x128xf32, #tpu.memory_space<vmem_shared>>
    tpu.enqueue_indirect_dma source(%arg14 : memref<128x128xf32, #tpu.memory_space<vmem>>) target(%dma_start3A_91 : memref<10112x128xf32, #tpu.memory_space<vmem_shared>>) offsets(%arg11 : memref<128xi32, #tpu.memory_space<vmem>>) semaphore(%arg21 : memref<!tpu.dma_semaphore, #tpu.memory_space<semaphore_mem>>) {add = true}
    %add3A_92 = arith.constant 3 : i32
    %add3A_93 = arith.addi %mul3A_6, %add3A_92 : i32
    %mul3A_94 = arith.constant 128 : i32
    %mul3A_95 = arith.muli %add3A_93, %mul3A_94 : i32
    %dma_start3A_96 = tpu.memref_slice %arg3[%mul3A_95] : memref<320000xi32, #tpu.memory_space<hbm>> -> memref<128xi32, #tpu.memory_space<hbm>>
    %dma_start3A_97 = tpu.memref_slice %arg3[%mul3A_95] : memref<320000xi32, #tpu.memory_space<hbm>> -> memref<128xi32, #tpu.memory_space<hbm>>
    tpu.enqueue_dma source(%dma_start3A_97 : memref<128xi32, #tpu.memory_space<hbm>>) target(%arg7 : memref<128xi32, #tpu.memory_space<vmem>>) target_semaphore(%arg23 : memref<!tpu.dma_semaphore, #tpu.memory_space<semaphore_mem>>)
    %scan3A = arith.constant 0 : i32
    %scan3A_98 = arith.constant 0 : i32
    %scan3A_99 = arith.constant 25 : i32
    %scan3A_100 = arith.addi %scan3A_98, %scan3A_99 : i32
    %scan3A_101 = arith.constant 1 : i32
    scf.for %scan3A_137 = %scan3A_98 to %scan3A_100 step %scan3A_101  : i32 {
      %mul3A_138 = arith.constant 3 : i32
      %mul3A_139 = arith.muli %mul3A_138, %scan3A_137 : i32
      %add3A_140 = arith.constant 2 : i32
      %add3A_141 = arith.addi %mul3A_139, %add3A_140 : i32
      %dma_wait3A_142 = arith.constant 0 : i32
      %dma_wait3A_143 = arith.constant 0 : i32
      %dma_wait3A_144 = tpu.memref_slice %arg16[%dma_wait3A_142, %dma_wait3A_143] : memref<10112x128xf32, #tpu.memory_space<vmem_shared>> -> memref<10112x128xf32, #tpu.memory_space<vmem_shared>>
      tpu.wait_indirect_dma semaphore(%arg20 : memref<!tpu.dma_semaphore, #tpu.memory_space<semaphore_mem>>) src(%arg13 : memref<128x128xf32, #tpu.memory_space<vmem>>) dst(%dma_wait3A_144 : memref<10112x128xf32, #tpu.memory_space<vmem_shared>>)
      %add3A_145 = arith.constant 1 : i32
      %add3A_146 = arith.addi %add3A_141, %add3A_145 : i32
      %add3A_147 = arith.addi %mul3A_6, %add3A_146 : i32
      %mul3A_148 = arith.constant 128 : i32
      %mul3A_149 = arith.muli %add3A_147, %mul3A_148 : i32
      %dma_start3A_150 = tpu.memref_slice %arg4[%mul3A_149] : memref<320000xi32, #tpu.memory_space<hbm>> -> memref<128xi32, #tpu.memory_space<hbm>>
      %dma_start3A_151 = tpu.memref_slice %arg4[%mul3A_149] : memref<320000xi32, #tpu.memory_space<hbm>> -> memref<128xi32, #tpu.memory_space<hbm>>
      tpu.enqueue_dma source(%dma_start3A_151 : memref<128xi32, #tpu.memory_space<hbm>>) target(%arg10 : memref<128xi32, #tpu.memory_space<vmem>>) target_semaphore(%arg26 : memref<!tpu.dma_semaphore, #tpu.memory_space<semaphore_mem>>)
      %add3A_152 = arith.constant 1 : i32
      %add3A_153 = arith.addi %add3A_141, %add3A_152 : i32
      %add3A_154 = arith.addi %mul3A_6, %add3A_153 : i32
      %mul3A_155 = arith.constant 128 : i32
      %mul3A_156 = arith.muli %add3A_154, %mul3A_155 : i32
      %dma_wait3A_157 = tpu.memref_slice %arg3[%mul3A_156] : memref<320000xi32, #tpu.memory_space<hbm>> -> memref<128xi32, #tpu.memory_space<hbm>>
      %dma_wait3A_158 = tpu.memref_slice %arg3[%mul3A_156] : memref<320000xi32, #tpu.memory_space<hbm>> -> memref<128xi32, #tpu.memory_space<hbm>>
      tpu.wait_dma2 semaphore(%arg23 : memref<!tpu.dma_semaphore, #tpu.memory_space<semaphore_mem>>) src(%dma_wait3A_158 : memref<128xi32, #tpu.memory_space<hbm>>) dst(%arg7 : memref<128xi32, #tpu.memory_space<vmem>>)
      %dma_start3A_159 = arith.constant 0 : i32
      %dma_start3A_160 = arith.constant 0 : i32
      %dma_start3A_161 = tpu.memref_slice %arg2[%dma_start3A_159, %dma_start3A_160] : memref<80000x128xf32, #tpu.memory_space<hbm>> -> memref<80000x128xf32, #tpu.memory_space<hbm>>
      tpu.enqueue_indirect_dma source(%dma_start3A_161 : memref<80000x128xf32, #tpu.memory_space<hbm>>) target(%arg13 : memref<128x128xf32, #tpu.memory_space<vmem>>) offsets(%arg7 : memref<128xi32, #tpu.memory_space<vmem>>) semaphore(%arg17 : memref<!tpu.dma_semaphore, #tpu.memory_space<semaphore_mem>>)
      %dma_wait3A_162 = arith.constant 0 : i32
      %dma_wait3A_163 = arith.constant 0 : i32
      %dma_wait3A_164 = tpu.memref_slice %arg2[%dma_wait3A_162, %dma_wait3A_163] : memref<80000x128xf32, #tpu.memory_space<hbm>> -> memref<80000x128xf32, #tpu.memory_space<hbm>>
      tpu.wait_indirect_dma semaphore(%arg19 : memref<!tpu.dma_semaphore, #tpu.memory_space<semaphore_mem>>) src(%dma_wait3A_164 : memref<80000x128xf32, #tpu.memory_space<hbm>>) dst(%arg15 : memref<128x128xf32, #tpu.memory_space<vmem>>)
      %add3A_165 = arith.addi %mul3A_6, %add3A_141 : i32
      %mul3A_166 = arith.constant 128 : i32
      %mul3A_167 = arith.muli %add3A_165, %mul3A_166 : i32
      %dma_wait3A_168 = tpu.memref_slice %arg4[%mul3A_167] : memref<320000xi32, #tpu.memory_space<hbm>> -> memref<128xi32, #tpu.memory_space<hbm>>
      %dma_wait3A_169 = tpu.memref_slice %arg4[%mul3A_167] : memref<320000xi32, #tpu.memory_space<hbm>> -> memref<128xi32, #tpu.memory_space<hbm>>
      tpu.wait_dma2 semaphore(%arg28 : memref<!tpu.dma_semaphore, #tpu.memory_space<semaphore_mem>>) src(%dma_wait3A_169 : memref<128xi32, #tpu.memory_space<hbm>>) dst(%arg12 : memref<128xi32, #tpu.memory_space<vmem>>)
      %dma_start3A_170 = arith.constant 0 : i32
      %dma_start3A_171 = arith.constant 0 : i32
      %dma_start3A_172 = tpu.memref_slice %arg16[%dma_start3A_170, %dma_start3A_171] : memref<10112x128xf32, #tpu.memory_space<vmem_shared>> -> memref<10112x128xf32, #tpu.memory_space<vmem_shared>>
      tpu.enqueue_indirect_dma source(%arg15 : memref<128x128xf32, #tpu.memory_space<vmem>>) target(%dma_start3A_172 : memref<10112x128xf32, #tpu.memory_space<vmem_shared>>) offsets(%arg12 : memref<128xi32, #tpu.memory_space<vmem>>) semaphore(%arg22 : memref<!tpu.dma_semaphore, #tpu.memory_space<semaphore_mem>>) {add = true}
      %add3A_173 = arith.constant 2 : i32
      %add3A_174 = arith.addi %add3A_141, %add3A_173 : i32
      %add3A_175 = arith.addi %mul3A_6, %add3A_174 : i32
      %mul3A_176 = arith.constant 128 : i32
      %mul3A_177 = arith.muli %add3A_175, %mul3A_176 : i32
      %dma_start3A_178 = tpu.memref_slice %arg3[%mul3A_177] : memref<320000xi32, #tpu.memory_space<hbm>> -> memref<128xi32, #tpu.memory_space<hbm>>
      %dma_start3A_179 = tpu.memref_slice %arg3[%mul3A_177] : memref<320000xi32, #tpu.memory_space<hbm>> -> memref<128xi32, #tpu.memory_space<hbm>>
      tpu.enqueue_dma source(%dma_start3A_179 : memref<128xi32, #tpu.memory_space<hbm>>) target(%arg8 : memref<128xi32, #tpu.memory_space<vmem>>) target_semaphore(%arg24 : memref<!tpu.dma_semaphore, #tpu.memory_space<semaphore_mem>>)
      %add3A_180 = arith.constant 1 : i32
      %add3A_181 = arith.addi %add3A_141, %add3A_180 : i32
      %dma_wait3A_182 = arith.constant 0 : i32
      %dma_wait3A_183 = arith.constant 0 : i32
      %dma_wait3A_184 = tpu.memref_slice %arg16[%dma_wait3A_182, %dma_wait3A_183] : memref<10112x128xf32, #tpu.memory_space<vmem_shared>> -> memref<10112x128xf32, #tpu.memory_space<vmem_shared>>
      tpu.wait_indirect_dma semaphore(%arg21 : memref<!tpu.dma_semaphore, #tpu.memory_space<semaphore_mem>>) src(%arg14 : memref<128x128xf32, #tpu.memory_space<vmem>>) dst(%dma_wait3A_184 : memref<10112x128xf32, #tpu.memory_space<vmem_shared>>)
      %add3A_185 = arith.constant 1 : i32
      %add3A_186 = arith.addi %add3A_181, %add3A_185 : i32
      %add3A_187 = arith.addi %mul3A_6, %add3A_186 : i32
      %mul3A_188 = arith.constant 128 : i32
      %mul3A_189 = arith.muli %add3A_187, %mul3A_188 : i32
      %dma_start3A_190 = tpu.memref_slice %arg4[%mul3A_189] : memref<320000xi32, #tpu.memory_space<hbm>> -> memref<128xi32, #tpu.memory_space<hbm>>
      %dma_start3A_191 = tpu.memref_slice %arg4[%mul3A_189] : memref<320000xi32, #tpu.memory_space<hbm>> -> memref<128xi32, #tpu.memory_space<hbm>>
      tpu.enqueue_dma source(%dma_start3A_191 : memref<128xi32, #tpu.memory_space<hbm>>) target(%arg11 : memref<128xi32, #tpu.memory_space<vmem>>) target_semaphore(%arg27 : memref<!tpu.dma_semaphore, #tpu.memory_space<semaphore_mem>>)
      %add3A_192 = arith.constant 1 : i32
      %add3A_193 = arith.addi %add3A_181, %add3A_192 : i32
      %add3A_194 = arith.addi %mul3A_6, %add3A_193 : i32
      %mul3A_195 = arith.constant 128 : i32
      %mul3A_196 = arith.muli %add3A_194, %mul3A_195 : i32
      %dma_wait3A_197 = tpu.memref_slice %arg3[%mul3A_196] : memref<320000xi32, #tpu.memory_space<hbm>> -> memref<128xi32, #tpu.memory_space<hbm>>
      %dma_wait3A_198 = tpu.memref_slice %arg3[%mul3A_196] : memref<320000xi32, #tpu.memory_space<hbm>> -> memref<128xi32, #tpu.memory_space<hbm>>
      tpu.wait_dma2 semaphore(%arg24 : memref<!tpu.dma_semaphore, #tpu.memory_space<semaphore_mem>>) src(%dma_wait3A_198 : memref<128xi32, #tpu.memory_space<hbm>>) dst(%arg8 : memref<128xi32, #tpu.memory_space<vmem>>)
      %dma_start3A_199 = arith.constant 0 : i32
      %dma_start3A_200 = arith.constant 0 : i32
      %dma_start3A_201 = tpu.memref_slice %arg2[%dma_start3A_199, %dma_start3A_200] : memref<80000x128xf32, #tpu.memory_space<hbm>> -> memref<80000x128xf32, #tpu.memory_space<hbm>>
      tpu.enqueue_indirect_dma source(%dma_start3A_201 : memref<80000x128xf32, #tpu.memory_space<hbm>>) target(%arg14 : memref<128x128xf32, #tpu.memory_space<vmem>>) offsets(%arg8 : memref<128xi32, #tpu.memory_space<vmem>>) semaphore(%arg18 : memref<!tpu.dma_semaphore, #tpu.memory_space<semaphore_mem>>)
      %dma_wait3A_202 = arith.constant 0 : i32
      %dma_wait3A_203 = arith.constant 0 : i32
      %dma_wait3A_204 = tpu.memref_slice %arg2[%dma_wait3A_202, %dma_wait3A_203] : memref<80000x128xf32, #tpu.memory_space<hbm>> -> memref<80000x128xf32, #tpu.memory_space<hbm>>
      tpu.wait_indirect_dma semaphore(%arg17 : memref<!tpu.dma_semaphore, #tpu.memory_space<semaphore_mem>>) src(%dma_wait3A_204 : memref<80000x128xf32, #tpu.memory_space<hbm>>) dst(%arg13 : memref<128x128xf32, #tpu.memory_space<vmem>>)
      %add3A_205 = arith.addi %mul3A_6, %add3A_181 : i32
      %mul3A_206 = arith.constant 128 : i32
      %mul3A_207 = arith.muli %add3A_205, %mul3A_206 : i32
      %dma_wait3A_208 = tpu.memref_slice %arg4[%mul3A_207] : memref<320000xi32, #tpu.memory_space<hbm>> -> memref<128xi32, #tpu.memory_space<hbm>>
      %dma_wait3A_209 = tpu.memref_slice %arg4[%mul3A_207] : memref<320000xi32, #tpu.memory_space<hbm>> -> memref<128xi32, #tpu.memory_space<hbm>>
      tpu.wait_dma2 semaphore(%arg26 : memref<!tpu.dma_semaphore, #tpu.memory_space<semaphore_mem>>) src(%dma_wait3A_209 : memref<128xi32, #tpu.memory_space<hbm>>) dst(%arg10 : memref<128xi32, #tpu.memory_space<vmem>>)
      %dma_start3A_210 = arith.constant 0 : i32
      %dma_start3A_211 = arith.constant 0 : i32
      %dma_start3A_212 = tpu.memref_slice %arg16[%dma_start3A_210, %dma_start3A_211] : memref<10112x128xf32, #tpu.memory_space<vmem_shared>> -> memref<10112x128xf32, #tpu.memory_space<vmem_shared>>
      tpu.enqueue_indirect_dma source(%arg13 : memref<128x128xf32, #tpu.memory_space<vmem>>) target(%dma_start3A_212 : memref<10112x128xf32, #tpu.memory_space<vmem_shared>>) offsets(%arg10 : memref<128xi32, #tpu.memory_space<vmem>>) semaphore(%arg20 : memref<!tpu.dma_semaphore, #tpu.memory_space<semaphore_mem>>) {add = true}
      %add3A_213 = arith.constant 2 : i32
      %add3A_214 = arith.addi %add3A_181, %add3A_213 : i32
      %add3A_215 = arith.addi %mul3A_6, %add3A_214 : i32
      %mul3A_216 = arith.constant 128 : i32
      %mul3A_217 = arith.muli %add3A_215, %mul3A_216 : i32
      %dma_start3A_218 = tpu.memref_slice %arg3[%mul3A_217] : memref<320000xi32, #tpu.memory_space<hbm>> -> memref<128xi32, #tpu.memory_space<hbm>>
      %dma_start3A_219 = tpu.memref_slice %arg3[%mul3A_217] : memref<320000xi32, #tpu.memory_space<hbm>> -> memref<128xi32, #tpu.memory_space<hbm>>
      tpu.enqueue_dma source(%dma_start3A_219 : memref<128xi32, #tpu.memory_space<hbm>>) target(%arg9 : memref<128xi32, #tpu.memory_space<vmem>>) target_semaphore(%arg25 : memref<!tpu.dma_semaphore, #tpu.memory_space<semaphore_mem>>)
      %add3A_220 = arith.constant 2 : i32
      %add3A_221 = arith.addi %add3A_141, %add3A_220 : i32
      %dma_wait3A_222 = arith.constant 0 : i32
      %dma_wait3A_223 = arith.constant 0 : i32
      %dma_wait3A_224 = tpu.memref_slice %arg16[%dma_wait3A_222, %dma_wait3A_223] : memref<10112x128xf32, #tpu.memory_space<vmem_shared>> -> memref<10112x128xf32, #tpu.memory_space<vmem_shared>>
      tpu.wait_indirect_dma semaphore(%arg22 : memref<!tpu.dma_semaphore, #tpu.memory_space<semaphore_mem>>) src(%arg15 : memref<128x128xf32, #tpu.memory_space<vmem>>) dst(%dma_wait3A_224 : memref<10112x128xf32, #tpu.memory_space<vmem_shared>>)
      %add3A_225 = arith.constant 1 : i32
      %add3A_226 = arith.addi %add3A_221, %add3A_225 : i32
      %add3A_227 = arith.addi %mul3A_6, %add3A_226 : i32
      %mul3A_228 = arith.constant 128 : i32
      %mul3A_229 = arith.muli %add3A_227, %mul3A_228 : i32
      %dma_start3A_230 = tpu.memref_slice %arg4[%mul3A_229] : memref<320000xi32, #tpu.memory_space<hbm>> -> memref<128xi32, #tpu.memory_space<hbm>>
      %dma_start3A_231 = tpu.memref_slice %arg4[%mul3A_229] : memref<320000xi32, #tpu.memory_space<hbm>> -> memref<128xi32, #tpu.memory_space<hbm>>
      tpu.enqueue_dma source(%dma_start3A_231 : memref<128xi32, #tpu.memory_space<hbm>>) target(%arg12 : memref<128xi32, #tpu.memory_space<vmem>>) target_semaphore(%arg28 : memref<!tpu.dma_semaphore, #tpu.memory_space<semaphore_mem>>)
      %add3A_232 = arith.constant 1 : i32
      %add3A_233 = arith.addi %add3A_221, %add3A_232 : i32
      %add3A_234 = arith.addi %mul3A_6, %add3A_233 : i32
      %mul3A_235 = arith.constant 128 : i32
      %mul3A_236 = arith.muli %add3A_234, %mul3A_235 : i32
      %dma_wait3A_237 = tpu.memref_slice %arg3[%mul3A_236] : memref<320000xi32, #tpu.memory_space<hbm>> -> memref<128xi32, #tpu.memory_space<hbm>>
      %dma_wait3A_238 = tpu.memref_slice %arg3[%mul3A_236] : memref<320000xi32, #tpu.memory_space<hbm>> -> memref<128xi32, #tpu.memory_space<hbm>>
      tpu.wait_dma2 semaphore(%arg25 : memref<!tpu.dma_semaphore, #tpu.memory_space<semaphore_mem>>) src(%dma_wait3A_238 : memref<128xi32, #tpu.memory_space<hbm>>) dst(%arg9 : memref<128xi32, #tpu.memory_space<vmem>>)
      %dma_start3A_239 = arith.constant 0 : i32
      %dma_start3A_240 = arith.constant 0 : i32
      %dma_start3A_241 = tpu.memref_slice %arg2[%dma_start3A_239, %dma_start3A_240] : memref<80000x128xf32, #tpu.memory_space<hbm>> -> memref<80000x128xf32, #tpu.memory_space<hbm>>
      tpu.enqueue_indirect_dma source(%dma_start3A_241 : memref<80000x128xf32, #tpu.memory_space<hbm>>) target(%arg15 : memref<128x128xf32, #tpu.memory_space<vmem>>) offsets(%arg9 : memref<128xi32, #tpu.memory_space<vmem>>) semaphore(%arg19 : memref<!tpu.dma_semaphore, #tpu.memory_space<semaphore_mem>>)
      %dma_wait3A_242 = arith.constant 0 : i32
      %dma_wait3A_243 = arith.constant 0 : i32
      %dma_wait3A_244 = tpu.memref_slice %arg2[%dma_wait3A_242, %dma_wait3A_243] : memref<80000x128xf32, #tpu.memory_space<hbm>> -> memref<80000x128xf32, #tpu.memory_space<hbm>>
      tpu.wait_indirect_dma semaphore(%arg18 : memref<!tpu.dma_semaphore, #tpu.memory_space<semaphore_mem>>) src(%dma_wait3A_244 : memref<80000x128xf32, #tpu.memory_space<hbm>>) dst(%arg14 : memref<128x128xf32, #tpu.memory_space<vmem>>)
      %add3A_245 = arith.addi %mul3A_6, %add3A_221 : i32
      %mul3A_246 = arith.constant 128 : i32
      %mul3A_247 = arith.muli %add3A_245, %mul3A_246 : i32
      %dma_wait3A_248 = tpu.memref_slice %arg4[%mul3A_247] : memref<320000xi32, #tpu.memory_space<hbm>> -> memref<128xi32, #tpu.memory_space<hbm>>
      %dma_wait3A_249 = tpu.memref_slice %arg4[%mul3A_247] : memref<320000xi32, #tpu.memory_space<hbm>> -> memref<128xi32, #tpu.memory_space<hbm>>
      tpu.wait_dma2 semaphore(%arg27 : memref<!tpu.dma_semaphore, #tpu.memory_space<semaphore_mem>>) src(%dma_wait3A_249 : memref<128xi32, #tpu.memory_space<hbm>>) dst(%arg11 : memref<128xi32, #tpu.memory_space<vmem>>)
      %dma_start3A_250 = arith.constant 0 : i32
      %dma_start3A_251 = arith.constant 0 : i32
      %dma_start3A_252 = tpu.memref_slice %arg16[%dma_start3A_250, %dma_start3A_251] : memref<10112x128xf32, #tpu.memory_space<vmem_shared>> -> memref<10112x128xf32, #tpu.memory_space<vmem_shared>>
      tpu.enqueue_indirect_dma source(%arg14 : memref<128x128xf32, #tpu.memory_space<vmem>>) target(%dma_start3A_252 : memref<10112x128xf32, #tpu.memory_space<vmem_shared>>) offsets(%arg11 : memref<128xi32, #tpu.memory_space<vmem>>) semaphore(%arg21 : memref<!tpu.dma_semaphore, #tpu.memory_space<semaphore_mem>>) {add = true}
      %add3A_253 = arith.constant 2 : i32
      %add3A_254 = arith.addi %add3A_221, %add3A_253 : i32
      %add3A_255 = arith.addi %mul3A_6, %add3A_254 : i32
      %mul3A_256 = arith.constant 128 : i32
      %mul3A_257 = arith.muli %add3A_255, %mul3A_256 : i32
      %dma_start3A_258 = tpu.memref_slice %arg3[%mul3A_257] : memref<320000xi32, #tpu.memory_space<hbm>> -> memref<128xi32, #tpu.memory_space<hbm>>
      %dma_start3A_259 = tpu.memref_slice %arg3[%mul3A_257] : memref<320000xi32, #tpu.memory_space<hbm>> -> memref<128xi32, #tpu.memory_space<hbm>>
      tpu.enqueue_dma source(%dma_start3A_259 : memref<128xi32, #tpu.memory_space<hbm>>) target(%arg7 : memref<128xi32, #tpu.memory_space<vmem>>) target_semaphore(%arg23 : memref<!tpu.dma_semaphore, #tpu.memory_space<semaphore_mem>>)
    }
    %scan3A_102 = arith.constant 25 : i32
    %dma_wait3A_103 = arith.constant 0 : i32
    %dma_wait3A_104 = arith.constant 0 : i32
    %dma_wait3A_105 = tpu.memref_slice %arg16[%dma_wait3A_103, %dma_wait3A_104] : memref<10112x128xf32, #tpu.memory_space<vmem_shared>> -> memref<10112x128xf32, #tpu.memory_space<vmem_shared>>
    tpu.wait_indirect_dma semaphore(%arg20 : memref<!tpu.dma_semaphore, #tpu.memory_space<semaphore_mem>>) src(%arg13 : memref<128x128xf32, #tpu.memory_space<vmem>>) dst(%dma_wait3A_105 : memref<10112x128xf32, #tpu.memory_space<vmem_shared>>)
    %dma_wait3A_106 = arith.constant 0 : i32
    %dma_wait3A_107 = arith.constant 0 : i32
    %dma_wait3A_108 = tpu.memref_slice %arg2[%dma_wait3A_106, %dma_wait3A_107] : memref<80000x128xf32, #tpu.memory_space<hbm>> -> memref<80000x128xf32, #tpu.memory_space<hbm>>
    tpu.wait_indirect_dma semaphore(%arg19 : memref<!tpu.dma_semaphore, #tpu.memory_space<semaphore_mem>>) src(%dma_wait3A_108 : memref<80000x128xf32, #tpu.memory_space<hbm>>) dst(%arg15 : memref<128x128xf32, #tpu.memory_space<vmem>>)
    %add3A_109 = arith.constant 77 : i32
    %add3A_110 = arith.addi %mul3A_6, %add3A_109 : i32
    %mul3A_111 = arith.constant 128 : i32
    %mul3A_112 = arith.muli %add3A_110, %mul3A_111 : i32
    %dma_wait3A_113 = tpu.memref_slice %arg4[%mul3A_112] : memref<320000xi32, #tpu.memory_space<hbm>> -> memref<128xi32, #tpu.memory_space<hbm>>
    %dma_wait3A_114 = tpu.memref_slice %arg4[%mul3A_112] : memref<320000xi32, #tpu.memory_space<hbm>> -> memref<128xi32, #tpu.memory_space<hbm>>
    tpu.wait_dma2 semaphore(%arg28 : memref<!tpu.dma_semaphore, #tpu.memory_space<semaphore_mem>>) src(%dma_wait3A_114 : memref<128xi32, #tpu.memory_space<hbm>>) dst(%arg12 : memref<128xi32, #tpu.memory_space<vmem>>)
    %dma_start3A_115 = arith.constant 0 : i32
    %dma_start3A_116 = arith.constant 0 : i32
    %dma_start3A_117 = tpu.memref_slice %arg16[%dma_start3A_115, %dma_start3A_116] : memref<10112x128xf32, #tpu.memory_space<vmem_shared>> -> memref<10112x128xf32, #tpu.memory_space<vmem_shared>>
    tpu.enqueue_indirect_dma source(%arg15 : memref<128x128xf32, #tpu.memory_space<vmem>>) target(%dma_start3A_117 : memref<10112x128xf32, #tpu.memory_space<vmem_shared>>) offsets(%arg12 : memref<128xi32, #tpu.memory_space<vmem>>) semaphore(%arg22 : memref<!tpu.dma_semaphore, #tpu.memory_space<semaphore_mem>>) {add = true}
    %dma_wait3A_118 = arith.constant 0 : i32
    %dma_wait3A_119 = arith.constant 0 : i32
    %dma_wait3A_120 = tpu.memref_slice %arg16[%dma_wait3A_118, %dma_wait3A_119] : memref<10112x128xf32, #tpu.memory_space<vmem_shared>> -> memref<10112x128xf32, #tpu.memory_space<vmem_shared>>
    tpu.wait_indirect_dma semaphore(%arg21 : memref<!tpu.dma_semaphore, #tpu.memory_space<semaphore_mem>>) src(%arg14 : memref<128x128xf32, #tpu.memory_space<vmem>>) dst(%dma_wait3A_120 : memref<10112x128xf32, #tpu.memory_space<vmem_shared>>)
    %dma_wait3A_121 = arith.constant 0 : i32
    %dma_wait3A_122 = arith.constant 0 : i32
    %dma_wait3A_123 = tpu.memref_slice %arg16[%dma_wait3A_121, %dma_wait3A_122] : memref<10112x128xf32, #tpu.memory_space<vmem_shared>> -> memref<10112x128xf32, #tpu.memory_space<vmem_shared>>
    tpu.wait_indirect_dma semaphore(%arg22 : memref<!tpu.dma_semaphore, #tpu.memory_space<semaphore_mem>>) src(%arg15 : memref<128x128xf32, #tpu.memory_space<vmem>>) dst(%dma_wait3A_123 : memref<10112x128xf32, #tpu.memory_space<vmem_shared>>)
    %add3A_124 = arith.constant 78 : i32
    %add3A_125 = arith.addi %mul3A_6, %add3A_124 : i32
    %mul3A_126 = arith.constant 128 : i32
    %mul3A_127 = arith.muli %add3A_125, %mul3A_126 : i32
    %dma_wait3A_128 = tpu.memref_slice %arg3[%mul3A_127] : memref<320000xi32, #tpu.memory_space<hbm>> -> memref<128xi32, #tpu.memory_space<hbm>>
    %dma_wait3A_129 = tpu.memref_slice %arg3[%mul3A_127] : memref<320000xi32, #tpu.memory_space<hbm>> -> memref<128xi32, #tpu.memory_space<hbm>>
    tpu.wait_dma2 semaphore(%arg23 : memref<!tpu.dma_semaphore, #tpu.memory_space<semaphore_mem>>) src(%dma_wait3A_129 : memref<128xi32, #tpu.memory_space<hbm>>) dst(%arg7 : memref<128xi32, #tpu.memory_space<vmem>>)
    %lt3A = arith.constant 4 : i32
    %lt3A_130 = arith.cmpi slt, %add3A, %lt3A : i32
    %convert_element_type3A = arith.extui %lt3A_130 : i1 to i32
    %cond3A = arith.constant 0 : i32
    %cond3A_131 = arith.cmpi ne, %convert_element_type3A, %cond3A : i32
    scf.if %cond3A_131 {
      %add3A_137 = arith.constant 2496 : i32
      %add3A_138 = arith.addi %add3A_137, %add3A : i32
      %mul3A_139 = arith.constant 128 : i32
      %mul3A_140 = arith.muli %add3A_138, %mul3A_139 : i32
      "tpu.region"() ({
        %run_scoped3A = tpu.sem_alloc : memref<!tpu.dma_semaphore, #tpu.memory_space<semaphore_mem>>
        %dma_start3A_147 = tpu.memref_slice %arg3[%mul3A_140] : memref<320000xi32, #tpu.memory_space<hbm>> -> memref<128xi32, #tpu.memory_space<hbm>>
        %dma_start3A_148 = tpu.memref_slice %arg3[%mul3A_140] : memref<320000xi32, #tpu.memory_space<hbm>> -> memref<128xi32, #tpu.memory_space<hbm>>
        tpu.enqueue_dma source(%dma_start3A_148 : memref<128xi32, #tpu.memory_space<hbm>>) target(%arg7 : memref<128xi32, #tpu.memory_space<vmem>>) target_semaphore(%run_scoped3A : memref<!tpu.dma_semaphore, #tpu.memory_space<semaphore_mem>>)
        %dma_wait3A_149 = tpu.memref_slice %arg3[%mul3A_140] : memref<320000xi32, #tpu.memory_space<hbm>> -> memref<128xi32, #tpu.memory_space<hbm>>
        %dma_wait3A_150 = tpu.memref_slice %arg3[%mul3A_140] : memref<320000xi32, #tpu.memory_space<hbm>> -> memref<128xi32, #tpu.memory_space<hbm>>
        tpu.wait_dma2 semaphore(%run_scoped3A : memref<!tpu.dma_semaphore, #tpu.memory_space<semaphore_mem>>) src(%dma_wait3A_150 : memref<128xi32, #tpu.memory_space<hbm>>) dst(%arg7 : memref<128xi32, #tpu.memory_space<vmem>>)
        tpu.yield
      }) : () -> ()
      "tpu.region"() ({
        %run_scoped3A = tpu.sem_alloc : memref<!tpu.dma_semaphore, #tpu.memory_space<semaphore_mem>>
        %dma_start3A_147 = tpu.memref_slice %arg4[%mul3A_140] : memref<320000xi32, #tpu.memory_space<hbm>> -> memref<128xi32, #tpu.memory_space<hbm>>
        %dma_start3A_148 = tpu.memref_slice %arg4[%mul3A_140] : memref<320000xi32, #tpu.memory_space<hbm>> -> memref<128xi32, #tpu.memory_space<hbm>>
        tpu.enqueue_dma source(%dma_start3A_148 : memref<128xi32, #tpu.memory_space<hbm>>) target(%arg10 : memref<128xi32, #tpu.memory_space<vmem>>) target_semaphore(%run_scoped3A : memref<!tpu.dma_semaphore, #tpu.memory_space<semaphore_mem>>)
        %dma_wait3A_149 = tpu.memref_slice %arg4[%mul3A_140] : memref<320000xi32, #tpu.memory_space<hbm>> -> memref<128xi32, #tpu.memory_space<hbm>>
        %dma_wait3A_150 = tpu.memref_slice %arg4[%mul3A_140] : memref<320000xi32, #tpu.memory_space<hbm>> -> memref<128xi32, #tpu.memory_space<hbm>>
        tpu.wait_dma2 semaphore(%run_scoped3A : memref<!tpu.dma_semaphore, #tpu.memory_space<semaphore_mem>>) src(%dma_wait3A_150 : memref<128xi32, #tpu.memory_space<hbm>>) dst(%arg10 : memref<128xi32, #tpu.memory_space<vmem>>)
        tpu.yield
      }) : () -> ()
      %dma_start3A_141 = arith.constant 0 : i32
      %dma_start3A_142 = arith.constant 0 : i32
      %dma_start3A_143 = tpu.memref_slice %arg2[%dma_start3A_141, %dma_start3A_142] : memref<80000x128xf32, #tpu.memory_space<hbm>> -> memref<80000x128xf32, #tpu.memory_space<hbm>>
      tpu.enqueue_indirect_dma source(%dma_start3A_143 : memref<80000x128xf32, #tpu.memory_space<hbm>>) target(%arg13 : memref<128x128xf32, #tpu.memory_space<vmem>>) offsets(%arg7 : memref<128xi32, #tpu.memory_space<vmem>>) semaphore(%arg17 : memref<!tpu.dma_semaphore, #tpu.memory_space<semaphore_mem>>)
      %dma_wait3A_144 = arith.constant 0 : i32
      %dma_wait3A_145 = arith.constant 0 : i32
      %dma_wait3A_146 = tpu.memref_slice %arg2[%dma_wait3A_144, %dma_wait3A_145] : memref<80000x128xf32, #tpu.memory_space<hbm>> -> memref<80000x128xf32, #tpu.memory_space<hbm>>
      tpu.wait_indirect_dma semaphore(%arg17 : memref<!tpu.dma_semaphore, #tpu.memory_space<semaphore_mem>>) src(%dma_wait3A_146 : memref<80000x128xf32, #tpu.memory_space<hbm>>) dst(%arg13 : memref<128x128xf32, #tpu.memory_space<vmem>>)
      "tpu.region"() ({
        %run_scoped3A = tpu.sem_alloc : memref<!tpu.dma_semaphore, #tpu.memory_space<semaphore_mem>>
        %dma_start3A_147 = arith.constant 0 : i32
        %dma_start3A_148 = arith.constant 0 : i32
        %dma_start3A_149 = tpu.memref_slice %arg16[%dma_start3A_147, %dma_start3A_148] : memref<10112x128xf32, #tpu.memory_space<vmem_shared>> -> memref<10112x128xf32, #tpu.memory_space<vmem_shared>>
        tpu.enqueue_indirect_dma source(%arg13 : memref<128x128xf32, #tpu.memory_space<vmem>>) target(%dma_start3A_149 : memref<10112x128xf32, #tpu.memory_space<vmem_shared>>) offsets(%arg10 : memref<128xi32, #tpu.memory_space<vmem>>) semaphore(%run_scoped3A : memref<!tpu.dma_semaphore, #tpu.memory_space<semaphore_mem>>) {add = true}
        %dma_wait3A_150 = arith.constant 0 : i32
        %dma_wait3A_151 = arith.constant 0 : i32
        %dma_wait3A_152 = tpu.memref_slice %arg16[%dma_wait3A_150, %dma_wait3A_151] : memref<10112x128xf32, #tpu.memory_space<vmem_shared>> -> memref<10112x128xf32, #tpu.memory_space<vmem_shared>>
        tpu.wait_indirect_dma semaphore(%run_scoped3A : memref<!tpu.dma_semaphore, #tpu.memory_space<semaphore_mem>>) src(%arg13 : memref<128x128xf32, #tpu.memory_space<vmem>>) dst(%dma_wait3A_152 : memref<10112x128xf32, #tpu.memory_space<vmem_shared>>)
        tpu.yield
      }) : () -> ()
    } else {
    }
    %barrier3A_132 = arith.constant 0 : index
    tpu.barrier barrier_id(%barrier3A_132)
    %mul3A_133 = arith.constant 632 : i32
    %mul3A_134 = arith.muli %arg1, %mul3A_133 : i32
    %mul3A_135 = arith.constant 632 : i32
    %mul3A_136 = arith.muli %arg1, %mul3A_135 : i32
    "tpu.region"() ({
      %run_scoped3A = tpu.sem_alloc : memref<!tpu.dma_semaphore, #tpu.memory_space<semaphore_mem>>
      %dma_start3A_137 = arith.constant 0 : i32
      %dma_start3A_138 = arith.constant 0 : i32
      %dma_start3A_139 = tpu.memref_slice %arg6[%arg0, %dma_start3A_137, %dma_start3A_138] : memref<2x10112x128xf32, #tpu.memory_space<hbm>> -> memref<1x10112x128xf32, #tpu.memory_space<hbm>>
      %dma_start3A_140 = tpu.memref_squeeze %dma_start3A_139 : memref<1x10112x128xf32, #tpu.memory_space<hbm>> -> memref<10112x128xf32, #tpu.memory_space<hbm>>
      %dma_start3A_141 = arith.constant 0 : i32
      %dma_start3A_142 = tpu.memref_slice %dma_start3A_140[%mul3A_136, %dma_start3A_141] : memref<10112x128xf32, #tpu.memory_space<hbm>> -> memref<632x128xf32, #tpu.memory_space<hbm>>
      %dma_start3A_143 = arith.constant 0 : i32
      %dma_start3A_144 = tpu.memref_slice %arg16[%mul3A_134, %dma_start3A_143] : memref<10112x128xf32, #tpu.memory_space<vmem_shared>> -> memref<632x128xf32, #tpu.memory_space<vmem_shared>>
      tpu.enqueue_dma source(%dma_start3A_144 : memref<632x128xf32, #tpu.memory_space<vmem_shared>>) target(%dma_start3A_142 : memref<632x128xf32, #tpu.memory_space<hbm>>) target_semaphore(%run_scoped3A : memref<!tpu.dma_semaphore, #tpu.memory_space<semaphore_mem>>)
      %dma_wait3A_145 = arith.constant 0 : i32
      %dma_wait3A_146 = arith.constant 0 : i32
      %dma_wait3A_147 = tpu.memref_slice %arg6[%arg0, %dma_wait3A_145, %dma_wait3A_146] : memref<2x10112x128xf32, #tpu.memory_space<hbm>> -> memref<1x10112x128xf32, #tpu.memory_space<hbm>>
      %dma_wait3A_148 = tpu.memref_squeeze %dma_wait3A_147 : memref<1x10112x128xf32, #tpu.memory_space<hbm>> -> memref<10112x128xf32, #tpu.memory_space<hbm>>
      %dma_wait3A_149 = arith.constant 0 : i32
      %dma_wait3A_150 = tpu.memref_slice %dma_wait3A_148[%mul3A_136, %dma_wait3A_149] : memref<10112x128xf32, #tpu.memory_space<hbm>> -> memref<632x128xf32, #tpu.memory_space<hbm>>
      %dma_wait3A_151 = arith.constant 0 : i32
      %dma_wait3A_152 = tpu.memref_slice %arg16[%mul3A_134, %dma_wait3A_151] : memref<10112x128xf32, #tpu.memory_space<vmem_shared>> -> memref<632x128xf32, #tpu.memory_space<vmem_shared>>
      tpu.wait_dma2 semaphore(%run_scoped3A : memref<!tpu.dma_semaphore, #tpu.memory_space<semaphore_mem>>) src(%dma_wait3A_152 : memref<632x128xf32, #tpu.memory_space<vmem_shared>>) dst(%dma_wait3A_150 : memref<632x128xf32, #tpu.memory_space<hbm>>)
      tpu.yield
    }) : () -> ()
    return
  }
}

module attributes {stable_mosaic.version = 14 : i64} {
  func.func @_tc_prep_body(%arg0: i32, %arg1: memref<2000x128xf32, #tpu.memory_space<vmem>>, %arg2: memref<8x128x128xf32, #tpu.memory_space<vmem>>, %arg3: memref<128x128xf32, #tpu.memory_space<vmem>>, %arg4: memref<1x128xf32, #tpu.memory_space<vmem>>, %arg5: memref<320000xi32, #tpu.memory_space<vmem>>, %arg6: memref<2x320000xi32, #tpu.memory_space<vmem>>, %arg7: memref<8x2000x128xf32, #tpu.memory_space<vmem>>, %arg8: memref<2000x128xf32, #tpu.memory_space<vmem>>, %arg9: memref<2016x128xf32, #tpu.memory_space<vmem>>, %arg10: memref<320000xi32, #tpu.memory_space<vmem>>, %arg11: memref<320000xi32, #tpu.memory_space<vmem>>) attributes {dimension_semantics = [#tpu.dimension_semantics<arbitrary>], iteration_bounds = array<i64: 5>, scalar_prefetch = 0 : i64, scratch_operands = 0 : i64, tpu.core_type = #tpu.core_type<tc>, window_params = [{transform_indices = @transform_0, window_bounds = array<i64: 2000, 128>}, {pipeline_mode = #tpu.pipeline_mode<synchronous>, transform_indices = @transform_1, window_bounds = array<i64: 8, 128, 128>}, {pipeline_mode = #tpu.pipeline_mode<synchronous>, transform_indices = @transform_2, window_bounds = array<i64: 128, 128>}, {pipeline_mode = #tpu.pipeline_mode<synchronous>, transform_indices = @transform_3, window_bounds = array<i64: 1, 128>}, {pipeline_mode = #tpu.pipeline_mode<synchronous>, transform_indices = @transform_4, window_bounds = array<i64: 320000>}, {pipeline_mode = #tpu.pipeline_mode<synchronous>, transform_indices = @transform_5, window_bounds = array<i64: 2, 320000>}, {transform_indices = @transform_6, window_bounds = array<i64: 8, 2000, 128>}, {transform_indices = @transform_7, window_bounds = array<i64: 2000, 128>}, {transform_indices = @transform_8, window_bounds = array<i64: 2016, 128>}, {pipeline_mode = #tpu.pipeline_mode<synchronous>, transform_indices = @transform_9, window_bounds = array<i64: 320000>}, {pipeline_mode = #tpu.pipeline_mode<synchronous>, transform_indices = @transform_10, window_bounds = array<i64: 320000>}]} {
    %get3A = arith.constant 0 : index
    %get3A_0 = arith.constant 0 : index
    %get3A_1 = vector.load %arg1[%get3A, %get3A_0] : memref<2000x128xf32, #tpu.memory_space<vmem>>, vector<2000x128xf32>
    %get3A_2 = arith.constant 0 : index
    %get3A_3 = arith.constant 0 : index
    %get3A_4 = arith.constant 0 : index
    %get3A_5 = vector.load %arg2[%get3A_2, %get3A_3, %get3A_4] : memref<8x128x128xf32, #tpu.memory_space<vmem>>, vector<1x128x128xf32>
    %get3A_6 = vector.shape_cast %get3A_5 : vector<1x128x128xf32> to vector<128x128xf32>
    %dot_general3A = arith.constant dense<0.000000e+00> : vector<2000x128xf32>
    %dot_general3A_7 = tpu.matmul %get3A_1, %get3A_6, %dot_general3A {dimension_numbers = #tpu.dot_dimension_numbers<[1], [0], [0], [1], [0, 0, 1, 1], [], []>, transpose_lhs_hint = false} : vector<2000x128xf32>, vector<128x128xf32>, vector<2000x128xf32> -> vector<2000x128xf32>
    %swap3A = arith.constant 0 : index
    %swap3A_8 = arith.constant 0 : index
    %swap3A_9 = arith.constant 0 : index
    %swap3A_10 = vector.load %arg7[%swap3A, %swap3A_8, %swap3A_9] : memref<8x2000x128xf32, #tpu.memory_space<vmem>>, vector<1x2000x128xf32>
    %swap3A_11 = vector.shape_cast %swap3A_10 : vector<1x2000x128xf32> to vector<2000x128xf32>
    %swap3A_12 = vector.shape_cast %dot_general3A_7 : vector<2000x128xf32> to vector<1x2000x128xf32>
    tpu.vector_store %arg7[%swap3A, %swap3A_8, %swap3A_9], %swap3A_12 {strides = array<i32>} : memref<8x2000x128xf32, #tpu.memory_space<vmem>>, vector<1x2000x128xf32>,
    %get3A_13 = arith.constant 1 : index
    %get3A_14 = arith.constant 0 : index
    %get3A_15 = arith.constant 0 : index
    %get3A_16 = vector.load %arg2[%get3A_13, %get3A_14, %get3A_15] : memref<8x128x128xf32, #tpu.memory_space<vmem>>, vector<1x128x128xf32>
    %get3A_17 = vector.shape_cast %get3A_16 : vector<1x128x128xf32> to vector<128x128xf32>
    %dot_general3A_18 = arith.constant dense<0.000000e+00> : vector<2000x128xf32>
    %dot_general3A_19 = tpu.matmul %get3A_1, %get3A_17, %dot_general3A_18 {dimension_numbers = #tpu.dot_dimension_numbers<[1], [0], [0], [1], [0, 0, 1, 1], [], []>, transpose_lhs_hint = false} : vector<2000x128xf32>, vector<128x128xf32>, vector<2000x128xf32> -> vector<2000x128xf32>
    %swap3A_20 = arith.constant 1 : index
    %swap3A_21 = arith.constant 0 : index
    %swap3A_22 = arith.constant 0 : index
    %swap3A_23 = vector.load %arg7[%swap3A_20, %swap3A_21, %swap3A_22] : memref<8x2000x128xf32, #tpu.memory_space<vmem>>, vector<1x2000x128xf32>
    %swap3A_24 = vector.shape_cast %swap3A_23 : vector<1x2000x128xf32> to vector<2000x128xf32>
    %swap3A_25 = vector.shape_cast %dot_general3A_19 : vector<2000x128xf32> to vector<1x2000x128xf32>
    tpu.vector_store %arg7[%swap3A_20, %swap3A_21, %swap3A_22], %swap3A_25 {strides = array<i32>} : memref<8x2000x128xf32, #tpu.memory_space<vmem>>, vector<1x2000x128xf32>,
    %get3A_26 = arith.constant 2 : index
    %get3A_27 = arith.constant 0 : index
    %get3A_28 = arith.constant 0 : index
    %get3A_29 = vector.load %arg2[%get3A_26, %get3A_27, %get3A_28] : memref<8x128x128xf32, #tpu.memory_space<vmem>>, vector<1x128x128xf32>
    %get3A_30 = vector.shape_cast %get3A_29 : vector<1x128x128xf32> to vector<128x128xf32>
    %dot_general3A_31 = arith.constant dense<0.000000e+00> : vector<2000x128xf32>
    %dot_general3A_32 = tpu.matmul %get3A_1, %get3A_30, %dot_general3A_31 {dimension_numbers = #tpu.dot_dimension_numbers<[1], [0], [0], [1], [0, 0, 1, 1], [], []>, transpose_lhs_hint = false} : vector<2000x128xf32>, vector<128x128xf32>, vector<2000x128xf32> -> vector<2000x128xf32>
    %swap3A_33 = arith.constant 2 : index
    %swap3A_34 = arith.constant 0 : index
    %swap3A_35 = arith.constant 0 : index
    %swap3A_36 = vector.load %arg7[%swap3A_33, %swap3A_34, %swap3A_35] : memref<8x2000x128xf32, #tpu.memory_space<vmem>>, vector<1x2000x128xf32>
    %swap3A_37 = vector.shape_cast %swap3A_36 : vector<1x2000x128xf32> to vector<2000x128xf32>
    %swap3A_38 = vector.shape_cast %dot_general3A_32 : vector<2000x128xf32> to vector<1x2000x128xf32>
    tpu.vector_store %arg7[%swap3A_33, %swap3A_34, %swap3A_35], %swap3A_38 {strides = array<i32>} : memref<8x2000x128xf32, #tpu.memory_space<vmem>>, vector<1x2000x128xf32>,
    %get3A_39 = arith.constant 3 : index
    %get3A_40 = arith.constant 0 : index
    %get3A_41 = arith.constant 0 : index
    %get3A_42 = vector.load %arg2[%get3A_39, %get3A_40, %get3A_41] : memref<8x128x128xf32, #tpu.memory_space<vmem>>, vector<1x128x128xf32>
    %get3A_43 = vector.shape_cast %get3A_42 : vector<1x128x128xf32> to vector<128x128xf32>
    %dot_general3A_44 = arith.constant dense<0.000000e+00> : vector<2000x128xf32>
    %dot_general3A_45 = tpu.matmul %get3A_1, %get3A_43, %dot_general3A_44 {dimension_numbers = #tpu.dot_dimension_numbers<[1], [0], [0], [1], [0, 0, 1, 1], [], []>, transpose_lhs_hint = false} : vector<2000x128xf32>, vector<128x128xf32>, vector<2000x128xf32> -> vector<2000x128xf32>
    %swap3A_46 = arith.constant 3 : index
    %swap3A_47 = arith.constant 0 : index
    %swap3A_48 = arith.constant 0 : index
    %swap3A_49 = vector.load %arg7[%swap3A_46, %swap3A_47, %swap3A_48] : memref<8x2000x128xf32, #tpu.memory_space<vmem>>, vector<1x2000x128xf32>
    %swap3A_50 = vector.shape_cast %swap3A_49 : vector<1x2000x128xf32> to vector<2000x128xf32>
    %swap3A_51 = vector.shape_cast %dot_general3A_45 : vector<2000x128xf32> to vector<1x2000x128xf32>
    tpu.vector_store %arg7[%swap3A_46, %swap3A_47, %swap3A_48], %swap3A_51 {strides = array<i32>} : memref<8x2000x128xf32, #tpu.memory_space<vmem>>, vector<1x2000x128xf32>,
    %get3A_52 = arith.constant 4 : index
    %get3A_53 = arith.constant 0 : index
    %get3A_54 = arith.constant 0 : index
    %get3A_55 = vector.load %arg2[%get3A_52, %get3A_53, %get3A_54] : memref<8x128x128xf32, #tpu.memory_space<vmem>>, vector<1x128x128xf32>
    %get3A_56 = vector.shape_cast %get3A_55 : vector<1x128x128xf32> to vector<128x128xf32>
    %dot_general3A_57 = arith.constant dense<0.000000e+00> : vector<2000x128xf32>
    %dot_general3A_58 = tpu.matmul %get3A_1, %get3A_56, %dot_general3A_57 {dimension_numbers = #tpu.dot_dimension_numbers<[1], [0], [0], [1], [0, 0, 1, 1], [], []>, transpose_lhs_hint = false} : vector<2000x128xf32>, vector<128x128xf32>, vector<2000x128xf32> -> vector<2000x128xf32>
    %swap3A_59 = arith.constant 4 : index
    %swap3A_60 = arith.constant 0 : index
    %swap3A_61 = arith.constant 0 : index
    %swap3A_62 = vector.load %arg7[%swap3A_59, %swap3A_60, %swap3A_61] : memref<8x2000x128xf32, #tpu.memory_space<vmem>>, vector<1x2000x128xf32>
    %swap3A_63 = vector.shape_cast %swap3A_62 : vector<1x2000x128xf32> to vector<2000x128xf32>
    %swap3A_64 = vector.shape_cast %dot_general3A_58 : vector<2000x128xf32> to vector<1x2000x128xf32>
    tpu.vector_store %arg7[%swap3A_59, %swap3A_60, %swap3A_61], %swap3A_64 {strides = array<i32>} : memref<8x2000x128xf32, #tpu.memory_space<vmem>>, vector<1x2000x128xf32>,
    %get3A_65 = arith.constant 5 : index
    %get3A_66 = arith.constant 0 : index
    %get3A_67 = arith.constant 0 : index
    %get3A_68 = vector.load %arg2[%get3A_65, %get3A_66, %get3A_67] : memref<8x128x128xf32, #tpu.memory_space<vmem>>, vector<1x128x128xf32>
    %get3A_69 = vector.shape_cast %get3A_68 : vector<1x128x128xf32> to vector<128x128xf32>
    %dot_general3A_70 = arith.constant dense<0.000000e+00> : vector<2000x128xf32>
    %dot_general3A_71 = tpu.matmul %get3A_1, %get3A_69, %dot_general3A_70 {dimension_numbers = #tpu.dot_dimension_numbers<[1], [0], [0], [1], [0, 0, 1, 1], [], []>, transpose_lhs_hint = false} : vector<2000x128xf32>, vector<128x128xf32>, vector<2000x128xf32> -> vector<2000x128xf32>
    %swap3A_72 = arith.constant 5 : index
    %swap3A_73 = arith.constant 0 : index
    %swap3A_74 = arith.constant 0 : index
    %swap3A_75 = vector.load %arg7[%swap3A_72, %swap3A_73, %swap3A_74] : memref<8x2000x128xf32, #tpu.memory_space<vmem>>, vector<1x2000x128xf32>
    %swap3A_76 = vector.shape_cast %swap3A_75 : vector<1x2000x128xf32> to vector<2000x128xf32>
    %swap3A_77 = vector.shape_cast %dot_general3A_71 : vector<2000x128xf32> to vector<1x2000x128xf32>
    tpu.vector_store %arg7[%swap3A_72, %swap3A_73, %swap3A_74], %swap3A_77 {strides = array<i32>} : memref<8x2000x128xf32, #tpu.memory_space<vmem>>, vector<1x2000x128xf32>,
    %get3A_78 = arith.constant 6 : index
    %get3A_79 = arith.constant 0 : index
    %get3A_80 = arith.constant 0 : index
    %get3A_81 = vector.load %arg2[%get3A_78, %get3A_79, %get3A_80] : memref<8x128x128xf32, #tpu.memory_space<vmem>>, vector<1x128x128xf32>
    %get3A_82 = vector.shape_cast %get3A_81 : vector<1x128x128xf32> to vector<128x128xf32>
    %dot_general3A_83 = arith.constant dense<0.000000e+00> : vector<2000x128xf32>
    %dot_general3A_84 = tpu.matmul %get3A_1, %get3A_82, %dot_general3A_83 {dimension_numbers = #tpu.dot_dimension_numbers<[1], [0], [0], [1], [0, 0, 1, 1], [], []>, transpose_lhs_hint = false} : vector<2000x128xf32>, vector<128x128xf32>, vector<2000x128xf32> -> vector<2000x128xf32>
    %swap3A_85 = arith.constant 6 : index
    %swap3A_86 = arith.constant 0 : index
    %swap3A_87 = arith.constant 0 : index
    %swap3A_88 = vector.load %arg7[%swap3A_85, %swap3A_86, %swap3A_87] : memref<8x2000x128xf32, #tpu.memory_space<vmem>>, vector<1x2000x128xf32>
    %swap3A_89 = vector.shape_cast %swap3A_88 : vector<1x2000x128xf32> to vector<2000x128xf32>
    %swap3A_90 = vector.shape_cast %dot_general3A_84 : vector<2000x128xf32> to vector<1x2000x128xf32>
    tpu.vector_store %arg7[%swap3A_85, %swap3A_86, %swap3A_87], %swap3A_90 {strides = array<i32>} : memref<8x2000x128xf32, #tpu.memory_space<vmem>>, vector<1x2000x128xf32>,
    %get3A_91 = arith.constant 7 : index
    %get3A_92 = arith.constant 0 : index
    %get3A_93 = arith.constant 0 : index
    %get3A_94 = vector.load %arg2[%get3A_91, %get3A_92, %get3A_93] : memref<8x128x128xf32, #tpu.memory_space<vmem>>, vector<1x128x128xf32>
    %get3A_95 = vector.shape_cast %get3A_94 : vector<1x128x128xf32> to vector<128x128xf32>
    %dot_general3A_96 = arith.constant dense<0.000000e+00> : vector<2000x128xf32>
    %dot_general3A_97 = tpu.matmul %get3A_1, %get3A_95, %dot_general3A_96 {dimension_numbers = #tpu.dot_dimension_numbers<[1], [0], [0], [1], [0, 0, 1, 1], [], []>, transpose_lhs_hint = false} : vector<2000x128xf32>, vector<128x128xf32>, vector<2000x128xf32> -> vector<2000x128xf32>
    %swap3A_98 = arith.constant 7 : index
    %swap3A_99 = arith.constant 0 : index
    %swap3A_100 = arith.constant 0 : index
    %swap3A_101 = vector.load %arg7[%swap3A_98, %swap3A_99, %swap3A_100] : memref<8x2000x128xf32, #tpu.memory_space<vmem>>, vector<1x2000x128xf32>
    %swap3A_102 = vector.shape_cast %swap3A_101 : vector<1x2000x128xf32> to vector<2000x128xf32>
    %swap3A_103 = vector.shape_cast %dot_general3A_97 : vector<2000x128xf32> to vector<1x2000x128xf32>
    tpu.vector_store %arg7[%swap3A_98, %swap3A_99, %swap3A_100], %swap3A_103 {strides = array<i32>} : memref<8x2000x128xf32, #tpu.memory_space<vmem>>, vector<1x2000x128xf32>,
    %get3A_104 = arith.constant 0 : index
    %get3A_105 = arith.constant 0 : index
    %get3A_106 = vector.load %arg3[%get3A_104, %get3A_105] : memref<128x128xf32, #tpu.memory_space<vmem>>, vector<128x128xf32>
    %dot_general3A_107 = arith.constant dense<0.000000e+00> : vector<2000x128xf32>
    %dot_general3A_108 = tpu.matmul %get3A_1, %get3A_106, %dot_general3A_107 {dimension_numbers = #tpu.dot_dimension_numbers<[1], [0], [0], [1], [0, 0, 1, 1], [], []>, transpose_lhs_hint = false} : vector<2000x128xf32>, vector<128x128xf32>, vector<2000x128xf32> -> vector<2000x128xf32>
    %get3A_109 = arith.constant 0 : index
    %get3A_110 = arith.constant 0 : index
    %get3A_111 = vector.load %arg4[%get3A_109, %get3A_110] : memref<1x128xf32, #tpu.memory_space<vmem>>, vector<1x128xf32>
    %add3A = vector.broadcast %get3A_111 : vector<1x128xf32> to vector<2000x128xf32>
    %add3A_112 = arith.addf %dot_general3A_108, %add3A : vector<2000x128xf32>
    %swap3A_113 = arith.constant 0 : index
    %swap3A_114 = arith.constant 0 : index
    %swap3A_115 = vector.load %arg8[%swap3A_113, %swap3A_114] : memref<2000x128xf32, #tpu.memory_space<vmem>>, vector<2000x128xf32>
    tpu.vector_store %arg8[%swap3A_113, %swap3A_114], %add3A_112 {strides = array<i32>} : memref<2000x128xf32, #tpu.memory_space<vmem>>, vector<2000x128xf32>,
    %broadcast_in_dim3A = arith.constant 0.000000e+00 : f32
    %broadcast_in_dim3A_116 = vector.broadcast %broadcast_in_dim3A : f32 to vector<2016x128xf32>
    %swap3A_117 = arith.constant 0 : index
    %swap3A_118 = arith.constant 0 : index
    %swap3A_119 = vector.load %arg9[%swap3A_117, %swap3A_118] : memref<2016x128xf32, #tpu.memory_space<vmem>>, vector<2016x128xf32>
    tpu.vector_store %arg9[%swap3A_117, %swap3A_118], %broadcast_in_dim3A_116 {strides = array<i32>} : memref<2016x128xf32, #tpu.memory_space<vmem>>, vector<2016x128xf32>,
    %eq3A = arith.constant 0 : i32
    %eq3A_120 = arith.cmpi eq, %arg0, %eq3A : i32
    %convert_element_type3A = arith.extui %eq3A_120 : i1 to i32
    %cond3A = arith.constant 0 : i32
    %cond3A_121 = arith.cmpi ne, %convert_element_type3A, %cond3A : i32
    scf.if %cond3A_121 {
      %get3A_122 = arith.constant 0 : index
      %get3A_123 = vector.load %arg5[%get3A_122] : memref<320000xi32, #tpu.memory_space<vmem>>, vector<320000xi32>
      %mul3A = arith.constant 10000 : i32
      %mul3A_124 = vector.broadcast %mul3A : i32 to vector<320000xi32>
      %mul3A_125 = arith.muli %get3A_123, %mul3A_124 : vector<320000xi32>
      %get3A_126 = arith.constant 0 : index
      %get3A_127 = arith.constant 0 : index
      %get3A_128 = vector.load %arg6[%get3A_126, %get3A_127] : memref<2x320000xi32, #tpu.memory_space<vmem>>, vector<1x320000xi32>
      %get3A_129 = vector.shape_cast %get3A_128 : vector<1x320000xi32> to vector<320000xi32>
      %add3A_130 = arith.addi %mul3A_125, %get3A_129 : vector<320000xi32>
      %swap3A_131 = arith.constant 0 : index
      %swap3A_132 = vector.load %arg10[%swap3A_131] : memref<320000xi32, #tpu.memory_space<vmem>>, vector<320000xi32>
      tpu.vector_store %arg10[%swap3A_131], %add3A_130 {strides = array<i32>} : memref<320000xi32, #tpu.memory_space<vmem>>, vector<320000xi32>,
      %get3A_133 = arith.constant 1 : index
      %get3A_134 = arith.constant 0 : index
      %get3A_135 = vector.load %arg6[%get3A_133, %get3A_134] : memref<2x320000xi32, #tpu.memory_space<vmem>>, vector<1x320000xi32>
      %get3A_136 = vector.shape_cast %get3A_135 : vector<1x320000xi32> to vector<320000xi32>
      %swap3A_137 = arith.constant 0 : index
      %swap3A_138 = vector.load %arg11[%swap3A_137] : memref<320000xi32, #tpu.memory_space<vmem>>, vector<320000xi32>
      tpu.vector_store %arg11[%swap3A_137], %get3A_136 {strides = array<i32>} : memref<320000xi32, #tpu.memory_space<vmem>>, vector<320000xi32>,
    } else {
    }
    return
  }
  func.func @transform_0(%arg0: i32) -> (i32, i32) {
    %c0_i32 = arith.constant 0 : i32
    %c0_i32_0 = arith.constant 0 : i32
    return %arg0, %c0_i32 : i32, i32
  }
  func.func @transform_1(%arg0: i32) -> (i32, i32, i32) {
    %c0_i32 = arith.constant 0 : i32
    %c0_i32_0 = arith.constant 0 : i32
    %c0_i32_1 = arith.constant 0 : i32
    %c0_i32_2 = arith.constant 0 : i32
    return %c0_i32, %c0_i32_0, %c0_i32_1 : i32, i32, i32
  }
  func.func @transform_2(%arg0: i32) -> (i32, i32) {
    %c0_i32 = arith.constant 0 : i32
    %c0_i32_0 = arith.constant 0 : i32
    %c0_i32_1 = arith.constant 0 : i32
    return %c0_i32, %c0_i32_0 : i32, i32
  }
  func.func @transform_3(%arg0: i32) -> (i32, i32) {
    %c0_i32 = arith.constant 0 : i32
    %c0_i32_0 = arith.constant 0 : i32
    %c0_i32_1 = arith.constant 0 : i32
    return %c0_i32, %c0_i32_0 : i32, i32
  }
  func.func @transform_4(%arg0: i32) -> i32 {
    %c0_i32 = arith.constant 0 : i32
    %c0_i32_0 = arith.constant 0 : i32
    return %c0_i32 : i32
  }
  func.func @transform_5(%arg0: i32) -> (i32, i32) {
    %c0_i32 = arith.constant 0 : i32
    %c0_i32_0 = arith.constant 0 : i32
    %c0_i32_1 = arith.constant 0 : i32
    return %c0_i32, %c0_i32_0 : i32, i32
  }
  func.func @transform_6(%arg0: i32) -> (i32, i32, i32) {
    %c0_i32 = arith.constant 0 : i32
    %c0_i32_0 = arith.constant 0 : i32
    %c0_i32_1 = arith.constant 0 : i32
    return %c0_i32, %arg0, %c0_i32_0 : i32, i32, i32
  }
  func.func @transform_7(%arg0: i32) -> (i32, i32) {
    %c0_i32 = arith.constant 0 : i32
    %c0_i32_0 = arith.constant 0 : i32
    return %arg0, %c0_i32 : i32, i32
  }
  func.func @transform_8(%arg0: i32) -> (i32, i32) {
    %c0_i32 = arith.constant 0 : i32
    %c0_i32_0 = arith.constant 0 : i32
    return %arg0, %c0_i32 : i32, i32
  }
  func.func @transform_9(%arg0: i32) -> i32 {
    %c0_i32 = arith.constant 0 : i32
    %c0_i32_0 = arith.constant 0 : i32
    return %c0_i32 : i32
  }
  func.func @transform_10(%arg0: i32) -> i32 {
    %c0_i32 = arith.constant 0 : i32
    %c0_i32_0 = arith.constant 0 : i32
    return %c0_i32 : i32
  }
}

module attributes {stable_mosaic.version = 14 : i64} {
  func.func @_tc_combine_body(%arg0: i32, %arg1: memref<2x2000x128xf32, #tpu.memory_space<vmem>>, %arg2: memref<2000x128xf32, #tpu.memory_space<vmem>>, %arg3: memref<2000x128xf32, #tpu.memory_space<vmem>>) attributes {dimension_semantics = [#tpu.dimension_semantics<arbitrary>], iteration_bounds = array<i64: 5>, scalar_prefetch = 0 : i64, scratch_operands = 0 : i64, tpu.core_type = #tpu.core_type<tc>, window_params = [{transform_indices = @transform_0, window_bounds = array<i64: 2, 2000, 128>}, {transform_indices = @transform_1, window_bounds = array<i64: 2000, 128>}, {transform_indices = @transform_2, window_bounds = array<i64: 2000, 128>}]} {
    %get3A = arith.constant 0 : index
    %get3A_0 = arith.constant 0 : index
    %get3A_1 = vector.load %arg2[%get3A, %get3A_0] : memref<2000x128xf32, #tpu.memory_space<vmem>>, vector<2000x128xf32>
    %get3A_2 = arith.constant 0 : index
    %get3A_3 = arith.constant 0 : index
    %get3A_4 = arith.constant 0 : index
    %get3A_5 = vector.load %arg1[%get3A_2, %get3A_3, %get3A_4] : memref<2x2000x128xf32, #tpu.memory_space<vmem>>, vector<1x2000x128xf32>
    %get3A_6 = vector.shape_cast %get3A_5 : vector<1x2000x128xf32> to vector<2000x128xf32>
    %add3A = arith.addf %get3A_1, %get3A_6 : vector<2000x128xf32>
    %get3A_7 = arith.constant 1 : index
    %get3A_8 = arith.constant 0 : index
    %get3A_9 = arith.constant 0 : index
    %get3A_10 = vector.load %arg1[%get3A_7, %get3A_8, %get3A_9] : memref<2x2000x128xf32, #tpu.memory_space<vmem>>, vector<1x2000x128xf32>
    %get3A_11 = vector.shape_cast %get3A_10 : vector<1x2000x128xf32> to vector<2000x128xf32>
    %add3A_12 = arith.addf %add3A, %get3A_11 : vector<2000x128xf32>
    %max3A = arith.constant 0.000000e+00 : f32
    %max3A_13 = vector.broadcast %max3A : f32 to vector<2000x128xf32>
    %max3A_14 = arith.maximumf %add3A_12, %max3A_13 : vector<2000x128xf32>
    %swap3A = arith.constant 0 : index
    %swap3A_15 = arith.constant 0 : index
    %swap3A_16 = vector.load %arg3[%swap3A, %swap3A_15] : memref<2000x128xf32, #tpu.memory_space<vmem>>, vector<2000x128xf32>
    tpu.vector_store %arg3[%swap3A, %swap3A_15], %max3A_14 {strides = array<i32>} : memref<2000x128xf32, #tpu.memory_space<vmem>>, vector<2000x128xf32>,
    return
  }
  func.func @transform_0(%arg0: i32) -> (i32, i32, i32) {
    %c0_i32 = arith.constant 0 : i32
    %c0_i32_0 = arith.constant 0 : i32
    %c0_i32_1 = arith.constant 0 : i32
    return %c0_i32, %arg0, %c0_i32_0 : i32, i32, i32
  }
  func.func @transform_1(%arg0: i32) -> (i32, i32) {
    %c0_i32 = arith.constant 0 : i32
    %c0_i32_0 = arith.constant 0 : i32
    return %arg0, %c0_i32 : i32, i32
  }
  func.func @transform_2(%arg0: i32) -> (i32, i32) {
    %c0_i32 = arith.constant 0 : i32
    %c0_i32_0 = arith.constant 0 : i32
    return %arg0, %c0_i32 : i32, i32
  }
}

</mosaic_0001>

<sc_bundles>
// kernel: kernel.5.cloned.1.call-start
scs
__scs_entry_jumppad:
0x0: {  	(pc) =	sbr.rel $0x88, $3  }
0x1: {  	(tag) =	ssettag $0x0;
	lr =	simm.s32 $0x1  }
0x2: {  	[smem:$0x3F9B] =	sst lr;
	_ =	strace $0xD0000000  }
0x3: {  	_ = 	snop  }
0x4: {  	_ = 	snop  }
0x5: {  	_ = 	snop  }
0x6: {  	_ = 	snop  }
0x7: {  	_ = 	snop  }
__scs_overlays_trampoline_lowered:
0x8: {  	[smem:$0x3FAA] =	sst s0  }
0x9: {  	[smem:$0x3FAB] =	sst s1  }
0xa: {  	[smem:$0x3FAC] =	sst s2  }
0xb: {  	[smem:$0x3FAD] =	sst s3  }
0xc: {  	[smem:$0x3FAE] =	sst s4  }
0xd: {  	[smem:$0x3FAF] =	sst s5  }
0xe: {  	[smem:$0x3FB0] =	sst s6  }
0xf: {  	[smem:$0x3FB1] =	sst s7  }
0x10: {  	[smem:$0x3FB2] =	sst s8  }
0x11: {  	[smem:$0x3FB3] =	sst s9;
	s0 =	simm.s32 @!p0 $0x0  }
0x12: {  	s1 =	sld [smem:$0x3F99];
	s0 =	simm.s32 @p0 $0x1  }
0x13: {  	[smem:$0x3FB4] =	sst s0;
	s0 =	simm.s32 @!p1 $0x0  }
0x14: {  	s2 =	sld [smem:$0x3F98];
	s0 =	simm.s32 @p1 $0x1  }
0x15: {  	[smem:$0x3FB5] =	sst s0;
	s0 =	simm.s32 @!p2 $0x0  }
0x16: {  	s3 =	sld [smem:$0x3FDB];
	s0 =	simm.s32 @p2 $0x1  }
0x17: {  	s4 =	simm.s32 $0x1BF5;
	[smem:$0x3FB7] =	sst s0  }
0x18: {  	s0 =	sld [smem:$0x3F9A];
	_ =	swait.ge [sflag:s4], $0x0  }
0x19: {  	s7 =	sld [smem:$0x3F9B]  }
0x1a: {  	s8 =	sadd.s32 $0xFFFFE003, lr  }
0x1b: {  	s9 =	sadd.s32 $0xFFFFFEF7, lr;
	s5 =	simm.s32 $0xFFFFFFFF;
	p2 =	slt.u32 s8, $0xFFFFF086  }
0x1c: {  	p1 =	slt.u32 s9, $0xF7A;
	s5 =	simm.s32 @!p2 $0x0  }
0x1d: {  	s5 =	simm.s32 @p1 $0x1;
	p0 =	seq.s32 s7, s2  }
0x1e: {  	s7 =	smul.u32 @!p0 $0xF7A, s2;
	p2 =	seq.s32 @!p0 s5, $0x0  }
0x1f: {  	s9 =	smul.u32 $0xF7A, s1;
	s8 =	simm.s32 @!p0 $0x1BF5;
	p2 =	por !p2, p0  }
0x20: {  	[sflag:s8] =	ssyncset.s32 @!p0 $0xFFFFF086;
	s6 =	sadd.s32 @!p0 s3, s7;
	s7 =	simm.s32 @!p0 $0x108  }
0x21: {  	s3 =	sadd.s32 s3, s9;
	s6 =	sadd.s32 @!p0 $0x88, s6;
	s7 =	simm.s32 @p2 $0x1082  }
0x22: {  	[simem:s7], [sflag:s8] =	dma.local @!p0 [hbm:s6], $0xF7A  }
0x23: {  	s9 =	sor.u32 $0xD0000000, s2;
	s6 =	simm.s32 $0x108;
	_ =	swait.ge @!p0 [sflag:s8], $0x0  }
0x24: {  	s3 =	sadd.s32 $0x88, s3;
	s6 =	simm.s32 @!p1 $0x1082;
	[sflag:s4] =	ssyncset.s32 $0xFFFFF086  }
0x25: {  	[simem:s6], [sflag:s4] =	dma.local [hbm:s3], $0xF7A  }
0x26: {  	[smem:$0x3F9B] =	sst s1;
	(tag) =	ssettag s2;
	_ =	strace s9  }
0x27: {  	s1 =	sld [smem:$0x3FAB]  }
0x28: {  	s2 =	sld [smem:$0x3FAC]  }
0x29: {  	s4 =	sld [smem:$0x3FAE]  }
0x2a: {  	p0 =	seq.s32 s5, $0x0;
	s5 =	sld [smem:$0x3FAF]  }
0x2b: {  	s6 =	sld [smem:$0x3FB0]  }
0x2c: {  	s7 =	sld [smem:$0x3FB1]  }
0x2d: {  	s3 =	simm.s32 $0x108;
	s8 =	sld [smem:$0x3FB2]  }
0x2e: {  	s3 =	simm.s32 @!p0 $0x1082;
	s9 =	sld [smem:$0x3FB3]  }
0x2f: {  	lr =	sadd.s32 s0, s3;
	s0 =	sld [smem:$0x3FAA]  }
0x30: {  	s3 =	sld [smem:$0x3FAD]  }
0x31: {  	[smem:$0x3FB6] =	sst s10  }
0x32: {  	s10 =	sld [smem:$0x3FB4];
	_ =	sdelay $0x3  }
0x33: {  	p0 =	seq.s32 s10, $0x1;
	s10 =	sld [smem:$0x3FB6];
	_ =	sdelay $0x3  }
0x34: {  	[smem:$0x3FB6] =	sst s10  }
0x35: {  	s10 =	sld [smem:$0x3FB5];
	_ =	sdelay $0x3  }
0x36: {  	p1 =	seq.s32 s10, $0x1;
	s10 =	sld [smem:$0x3FB6];
	_ =	sdelay $0x3  }
0x37: {  	[smem:$0x3FB6] =	sst s10  }
0x38: {  	s10 =	sld [smem:$0x3FB7]  }
0x39: {  	_ = 	snop;
	(pc) =	sbr.ind lr, $3  }
0x3a: {  	_ = 	snop  }
0x3b: {  	_ = 	snop  }
0x3c: {  	p2 =	seq.s32 s10, $0x1;
	s10 =	sld [smem:$0x3FB6]  }
0x3d: {  	_ =	shalt  }
0x3e: {  	_ =	shalt  }
0x3f: {  	_ =	shalt  }
0x40: {  	_ =	shalt  }
0x41: {  	_ =	shalt  }
0x42: {  	_ =	shalt  }
0x43: {  	_ =	shalt  }
0x44: {  	_ =	shalt  }
0x45: {  	_ =	shalt  }
0x46: {  	_ =	shalt  }
0x47: {  	_ =	shalt  }
0x48: {  	_ =	shalt  }
0x49: {  	_ =	shalt  }
0x4a: {  	_ =	shalt  }
0x4b: {  	_ =	shalt  }
0x4c: {  	_ =	shalt  }
0x4d: {  	_ =	shalt  }
0x4e: {  	_ =	shalt  }
0x4f: {  	_ =	shalt  }
0x50: {  	_ =	shalt  }
0x51: {  	_ =	shalt  }
0x52: {  	_ =	shalt  }
0x53: {  	_ =	shalt  }
0x54: {  	_ =	shalt  }
0x55: {  	_ =	shalt  }
0x56: {  	_ =	shalt  }
0x57: {  	_ =	shalt  }
0x58: {  	_ =	shalt  }
0x59: {  	_ =	shalt  }
0x5a: {  	_ =	shalt  }
0x5b: {  	_ =	shalt  }
0x5c: {  	_ =	shalt  }
0x5d: {  	_ =	shalt  }
0x5e: {  	_ =	shalt  }
0x5f: {  	_ =	shalt  }
0x60: {  	_ =	shalt  }
0x61: {  	_ =	shalt  }
0x62: {  	_ =	shalt  }
0x63: {  	_ =	shalt  }
0x64: {  	_ =	shalt  }
0x65: {  	_ =	shalt  }
0x66: {  	_ =	shalt  }
0x67: {  	_ =	shalt  }
0x68: {  	_ =	shalt  }
0x69: {  	_ =	shalt  }
0x6a: {  	_ =	shalt  }
0x6b: {  	_ =	shalt  }
0x6c: {  	_ =	shalt  }
0x6d: {  	_ =	shalt  }
0x6e: {  	_ =	shalt  }
0x6f: {  	_ =	shalt  }
0x70: {  	_ =	shalt  }
0x71: {  	_ =	shalt  }
0x72: {  	_ =	shalt  }
0x73: {  	_ =	shalt  }
0x74: {  	_ =	shalt  }
0x75: {  	_ =	shalt  }
0x76: {  	_ =	shalt  }
0x77: {  	_ =	shalt  }
0x78: {  	_ =	shalt  }
0x79: {  	_ =	shalt  }
0x7a: {  	_ =	shalt  }
0x7b: {  	_ =	shalt  }
0x7c: {  	_ =	shalt  }
0x7d: {  	_ =	shalt  }
0x7e: {  	_ =	shalt  }
0x7f: {  	_ =	shalt  }
0x80: {  	_ =	shalt  }
0x81: {  	_ =	shalt  }
0x82: {  	_ =	shalt  }
0x83: {  	_ =	shalt  }
0x84: {  	_ =	shalt  }
0x85: {  	_ =	shalt  }
0x86: {  	_ =	shalt  }
0x87: {  	_ =	shalt  }
.Lfunc_end0:
.L_simem_size_0:
called_computation_lowered:
.L_overlay_start_0:
0x88: {  	s2 =	sld [smem:$0x3FD9]  }
0x89: {  	s3 =	sld [smem:$0x3FFE];
	_ =	sdelay $0x1  }
0x8a: {  	s1 =	srdreg.scid  }
0x8b: {  	s0 =	sand.u32 $0x1, s1  }
0x8c: {  	s17 =	sshll.u32 s0, $0xA;
	s2 =	sadd.s32 s3, s2  }
0x8d: {  	s2 =	sadd.s32 s2, s17  }
0x8e: {  	[smem:$0x3FC2] =	sst s2  }
0x8f: {  	_ = 	snop  }
0x90: {  	s2 =	sld [smem:$0x3FD0];
	(tm) =	ssettm $0x1  }
0x91: {  	s18 =	sld [smem:$0x3FFB];
	_ =	sdelay $0x3  }
0x92: {  	_ =	strace s18  }
0x93: {  	s3 =	sld [smem:$0x3FFC];
	_ =	sdelay $0x3  }
0x94: {  	_ =	strace s3  }
0x95: {  	s3 =	sld [smem:$0x3FFD];
	_ =	sdelay $0x3  }
0x96: {  	_ =	strace s3  }
0x97: {  	_ =	strace $0x8FFFFFFF  }
0x98: {  	s19 =	sld [smem:$0x3FDB];
	_ =	sdelay $0x1  }
0x99: {  	s4 =	simm.s32 $_scs_section_size  }
0x9a: {  	s5 =	simm.s32 $_size__tile_overlayer_lowered;
	s6 =	simm.s32 $_tile_overlayer_lowered  }
0x9b: {  	s22 =	simm.s32 $0x1BFF;
	s21 =	sshll.u32 s6, $0x1;
	s3 =	sadd.s32 s4, s19  }
0x9c: {  	s7 =	simm.s32 $0x0;
	s20 =	sshll.u32 s5, $0x1;
	s5 =	sadd.s32 s21, s3  }
0x9d: {  	[timem:s7], [sflag:s22] =	dma.local [hbm:s5], s20  }
0x9e: {  	_ =	swait.ge [sflag:s22], s20  }
0x9f: {  	s4 =	ssub.s32 $0x0, s20;
	[sflag:s22] =	ssyncset.done $0x0  }
0xa0: {  	[sflag:s22] =	ssyncadd.s32 s4;
	_ =	sdelay $0x1  }
0xa1: {  	s23 =	simm.s32 $0x1B8B  }
0xa2: {  	_ =	swait.ge [sflag:s23], $0x1  }
0xa3: {  	[sflag:s23] =	ssyncset.done $0x0  }
0xa4: {  	s25 =	simm.s32 $0x1B8E;
	s24 =	sld [smem:$0x3FFE];
	[sflag:s23] =	ssyncadd.s32 $0xFFFFFFFF  }
0xa5: {  	s26 =	simm.s32 $execute0_lowered;
	[smem:$0x3FD2] =	sst s25  }
0xa6: {  	s5 =	sshll.u32 s26, $0x1;
	_ =	strace $0x80000046;
	[dreg:$0x1] =	wrdreg $0xFFFFFFFF  }
0xa7: {  	s28 =	simm.s32 $_size_execute0_lowered;
	s3 =	sadd.s32 s3, s5;
	[dreg:$0x0] =	wrdreg $0x0  }
0xa8: {  	s5 =	sshll.u32 s28, $0x1;
	[dreg:$0x2] =	wrdreg s3  }
0xa9: {  	[dreg:$0x3] =	wrdreg s5  }
0xaa: {  	[dreg:$0x4] =	wrdreg $0xC0  }
0xab: {  	_ =	task [dreg:s7], $0x5FFFF  }
0xac: {  	[dreg:$0x1] =	wrdreg $0xFFFFFFFF  }
0xad: {  	[dreg:$0x0] =	wrdreg $0x60  }
0xae: {  	[dreg:$0x2] =	wrdreg s24  }
0xaf: {  	[dreg:$0x3] =	wrdreg s2  }
0xb0: {  	[dreg:$0x4] =	wrdreg $0xC3000  }
0xb1: {  	[dreg:$0x5] =	wrdreg $0x9  }
0xb2: {  	_ =	task.clear_ibuf [dreg:s7], $0x6FFFF;
	_ =	strace $0x90000046  }
0xb3: {  	s29 =	simm.s32 $0x9;
	_ =	strace $0x80000048  }
0xb4: {  	_ =	swait.ge [sflag:s29], $0x1  }
0xb5: {  	[sflag:s29] =	ssyncadd.s32 $0xFFFFFFFF  }
0xb6: {  	_ =	strace $0x90000048  }
0xb7: {  	_ =	sfence  }
0xb8: {  	s30 =	sld [smem:$0x0];
	_ =	sdelay $0x2  }
0xb9: {  	s31 =	sshll.u32 s1, $0xD;
	s1 =	sshrl.u32 s1, $0x2  }
0xba: {  	s3 =	sand.u32 $0x4000, s31;
	s1 =	sadd.s32 s1, s30  }
0xbb: {  	s0 =	sor.u32 s3, s0;
	s1 =	sshll.u32 s1, $0x11  }
0xbc: {  	s0 =	sor.u32 s1, s0  }
0xbd: {  	s0 =	sadd.s32 $0x8F2B, s0  }
0xbe: {  	[sflag:s0] =	ssyncadd.remote.s32 $0x1  }
0xbf: {  	_ =	sfence.sel $0xFFFF  }
0xc0: {  	[dreg:$0x0] =	wrdreg $0xFFFFFFFF;
	(pc) =	sbr.abs _section_cstart, $3  }
0xc1: {  	[dreg:$0x1] =	wrdreg $0xFFFFFFFF  }
0xc2: {  	_ =	task.clear_ibuf [dreg:s7], $0x2FFFF;
	_ =	strace $0x9FFFFFFF  }
0xc3: {  	(tm) =	ssettm $0x7FFFFFFF  }
tec
execute0_lowered:
.L_overlay_start_1:
0x0: {  	(tag) =	ssettag $0x1  }
0x1: {  	s0 =	rddreg [dreg:$0x0]  }
0x2: {  	s1 =	rddreg [dreg:$0x1]  }
0x3: {  	s2 =	rddreg [dreg:$0x2];
	s3 =	simm.s32 $0x0  }
0x4: {  	s16 =	stileid.u32;
	s6 =	srdreg.scid;
	s28 =	simm.s32 $0x8  }
0x5: {  	s29 =	simm.s32 $0x4300;
	s30 =	simm.s32 $0x1;
	s31 =	simm.s32 $0xA  }
0x6: {  	[smem:$0x7FF] =	sst s3;
	s5 =	smul.u32 $0x2780, s16;
	s4 =	sadd.s32 $0x1A00, s0  }
0x7: {  	s6 =	sand.u32 $0x1, s6;
	s8 =	sadd.s32 $0x161A00, s0;
	s12 =	smul.u32 $0x4F000, s16  }
0x8: {  	s11 =	sshll.u32 s16, $0x1;
	s21 =	sshll.u32 s16, $0x6;
	s14 =	smul.u32 $0x9C, s16  }
0x9: {  	p0 =	sgt.u32 s16, $0x1;
	_ =	strace $0x80000047;
	s9 =	smul.u32 $0x27800, s6  }
0xa: {  	s10 =	ssub.s32 $0x2, s6;
	s11 =	sor.u32 s6, s11;
	s17 =	sor.u32 $0x1C0D, s21  }
0xb: {  	s6 =	smul.u32 $0x4E, s6;
	s7 =	sadd.s32 s5, s0;
	s18 =	sshrl.u32 s10, $0x1  }
0xc: {  	s19 =	sshrl.u32 s12, $0x2;
	s20 =	smul.u32 $0x4E0, s11;
	[dreg:$0x9] =	wrdreg s17  }
0xd: {  	s0 =	sadd.s32 s9, s0;
	s9 =	ssub.s32 s10, s18;
	s10 =	sadd.s32 s19, s2  }
0xe: {  	s13 =	smul.u32 $0x2700, s11;
	s7 =	sadd.s32 $0x13A200, s7;
	[dreg:$0x7] =	wrdreg s10  }
0xf: {  	s6 =	sadd.s32 s6, s14;
	s14 =	simm.s32 $0x0;
	[dreg:$0x8] =	wrdreg s7  }
0x10: {  	s22 =	sadd.s32 s1, s20;
	s23 =	sor.u32 $0x10, s20;
	s13 =	sshrl.u32 s13, $0x3  }
0x11: {  	s26 =	sadd.s32 s8, s20;
	s6 =	sshll.u32 s6, $0x4;
	s0 =	sadd.s32 $0x16B800, s0  }
0x12: {  	[dreg:$0xa] =	wrdreg s22;
	s24 =	sadd.s32 s1, s23;
	s15 =	sadd.s32 $0x20, s13  }
0x13: {  	[dreg:$0xd] =	wrdreg s26;
	s10 =	sadd.s32 s8, s23;
	s18 =	sadd.s32 s1, s13  }
0x14: {  	s21 =	sadd.s32 s1, s6;
	s26 =	smax.u32 s9, $0x1;
	s0 =	sadd.s32 s5, s0  }
0x15: {  	s5 =	simm.s32 $0x8300;
	s9 =	simm.s32 $0x4;
	[dreg:$0xb] =	wrdreg s24  }
0x16: {  	s13 =	simm.s32 $0x6;
	s25 =	sadd.s32 s1, s15;
	[dreg:$0xe] =	wrdreg s10  }
0x17: {  	s12 =	sadd.s32 s8, s15;
	s15 =	sshll.u32 s11, $0x4;
	[dreg:$0x13] =	wrdreg s26  }
0x18: {  	s19 =	sadd.s32 $0x30, s18;
	s23 =	sadd.s32 $0x60, s21;
	[dreg:$0x14] =	wrdreg s0  }
0x19: {  	s24 =	sadd.s32 $0x40, s6;
	s6 =	sadd.s32 s6, s8;
	[dreg:$0xc] =	wrdreg s25  }
0x1a: {  	s21 =	simm.s32 $0x100;
	s26 =	simm.s32 $0x300;
	[dreg:$0xf] =	wrdreg s12  }
0x1b: {  	s0 =	simm.s32 $0x280;
	s11 =	simm.s32 $0xC;
	[dreg:$0x10] =	wrdreg s19  }
0x1c: {  	s10 =	sor.u32 $0x9C00, s15;
	[dreg:$0x4] =	wrdreg s23;
	s25 =	sadd.s32 s24, s8  }
0x1d: {  	s18 =	sadd.s32 $0x30, s6;
	s19 =	simm.s32 $0xD;
	s23 =	simm.s32 $0x200  }
0x1e: {  	s6 =	simm.s32 $0x2;
	s20 =	sadd.s32 s1, s10;
	[dreg:$0x6] =	wrdreg s25  }
0x1f: {  	s12 =	simm.s32 $0x5;
	s22 =	sadd.s32 s8, s10;
	[dreg:$0x11] =	wrdreg s20  }
0x20: {  	s1 =	sadd.s32 s24, s1;
	s25 =	simm.s32 $0x7;
	[dreg:$0x12] =	wrdreg s22  }
0x21: {  	s8 =	simm.s32 $0xB;
	s10 =	simm.s32 $0x3;
	[dreg:$0x5] =	wrdreg s1  }
0x22: {  	s20 =	simm.s32 $0x80;
	s22 =	simm.s32 $0x180;
	s1 =	simm.s32 $0x9  }
.LBB2_1:
0x23: {  	s7 =	rddreg [dreg:$0x7]  }
0x24: {  	s24 =	rddreg [dreg:$0x8];
	s15 =	sshrl.u32 s7, $0x3  }
0x25: {  	[spmem:s15], [sflag:s17] =	dma.local [hbm:s24], $0x2780  }
0x26: {  	_ =	swait.ge [sflag:s19], $0x2780  }
0x27: {  	[sflag:s19] =	ssyncset.done $0x0  }
0x28: {  	[sflag:s19] =	ssyncadd.s32 $0xFFFFD880  }
0x29: {  	[bflag:$0x0] =	sbarrier.arrive $0xFFFF  }
0x2a: {  	s16 =	rddreg [dreg:$0xa]  }
0x2b: {  	[tilespmem:s3], [sflag:$0x7] =	stream.linear.gather [hbm4b:s16+s3], $0x80, $0x38;
	[tilespmem:$0x1FF00] =	vst v63  }
0x2c: {  	s17 =	rddreg [dreg:$0xb]  }
0x2d: {  	[tilespmem:s20], [sflag:$0x8] =	stream.linear.gather [hbm4b:s17+s3], $0x80, $0x38;
	[tilespmem:$0x1FF00] =	vst v63  }
0x2e: {  	s19 =	rddreg [dreg:$0xc]  }
0x2f: {  	[tilespmem:s21], [sflag:$0x9] =	stream.linear.gather [hbm4b:s19+s3], $0x80, $0x38;
	[tilespmem:$0x1FF00] =	vst v63  }
0x30: {  	s24 =	rddreg [dreg:$0xd]  }
0x31: {  	[tilespmem:s22], [sflag:$0xA] =	stream.linear.gather [hbm4b:s24+s3], $0x80, $0x38;
	[tilespmem:$0x1FF00] =	vst v63  }
0x32: {  	s16 =	rddreg [dreg:$0xe]  }
0x33: {  	[tilespmem:s23], [sflag:$0xB] =	stream.linear.gather [hbm4b:s16+s3], $0x80, $0x38;
	[tilespmem:$0x1FF00] =	vst v63  }
0x34: {  	_ =	swait.ge [sflag:s25], $0x80  }
0x35: {  	[sflag:s25] =	ssyncset.done $0x0  }
0x36: {  	[sflag:s25] =	ssyncadd.s32 $0xFFFFFF80  }
0x37: {  	[tilespmem:s26], [sflag:$0x1] =	stream.indirect.gather [hbm4b:s4+s20], $0x80, s3, s20, $0xb8;
	[tilespmem:$0x1FF00] =	vst v63  }
0x38: {  	_ =	swait.ge [sflag:s28], $0x80  }
0x39: {  	[sflag:s28] =	ssyncset.done $0x0  }
0x3a: {  	[sflag:s28] =	ssyncadd.s32 $0xFFFFFF80  }
0x3b: {  	[tilespmem:s29], [sflag:$0x2] =	stream.indirect.gather [hbm4b:s4+s20], $0x80, s20, s20, $0xb8;
	[tilespmem:$0x1FF00] =	vst v63  }
0x3c: {  	_ =	swait.ge [sflag:s30], $0x4000  }
0x3d: {  	[sflag:s30] =	ssyncset.done $0x0  }
0x3e: {  	[sflag:s30] =	ssyncadd.s32 $0xFFFFC000  }
0x3f: {  	_ =	swait.ge [sflag:s31], $0x80  }
0x40: {  	[sflag:s31] =	ssyncset.done $0x0  }
0x41: {  	[sflag:s31] =	ssyncadd.s32 $0xFFFFFF80  }
0x42: {  	[spmem:s2] =	stream.indirect.scatter.add.f32 [tilespmem:s26], [sflag:$0x4], $0x80, s22, s20, $0xb8;
	[tilespmem:$0x1FF00] =	vst v63  }
0x43: {  	s17 =	rddreg [dreg:$0xf]  }
0x44: {  	[tilespmem:s0], [sflag:$0xC] =	stream.linear.gather [hbm4b:s17+s3], $0x80, $0x38;
	[tilespmem:$0x1FF00] =	vst v63  }
0x45: {  	_ =	swait.ge [sflag:s1], $0x80  }
0x46: {  	[sflag:s1] =	ssyncset.done $0x0  }
0x47: {  	[sflag:s1] =	ssyncadd.s32 $0xFFFFFF80  }
0x48: {  	[tilespmem:s5], [sflag:$0x3] =	stream.indirect.gather [hbm4b:s4+s20], $0x80, s21, s20, $0xb8;
	[tilespmem:$0x1FF00] =	vst v63  }
0x49: {  	_ =	swait.ge [sflag:s6], $0x4000  }
0x4a: {  	[sflag:s6] =	ssyncset.done $0x0  }
0x4b: {  	[sflag:s6] =	ssyncadd.s32 $0xFFFFC000  }
0x4c: {  	_ =	swait.ge [sflag:s8], $0x80  }
0x4d: {  	[sflag:s8] =	ssyncset.done $0x0  }
0x4e: {  	[sflag:s8] =	ssyncadd.s32 $0xFFFFFF80  }
0x4f: {  	[spmem:s2] =	stream.indirect.scatter.add.f32 [tilespmem:s29], [sflag:$0x5], $0x80, s23, s20, $0xb8;
	[tilespmem:$0x1FF00] =	vst v63  }
0x50: {  	s19 =	rddreg [dreg:$0x10]  }
0x51: {  	[tilespmem:s3], [sflag:$0x7] =	stream.linear.gather [hbm4b:s19+s3], $0x80, $0x38;
	[tilespmem:$0x1FF00] =	vst v63  }
0x52: {  	_ =	swait.ge [sflag:s9], $0x4000  }
0x53: {  	[sflag:s9] =	ssyncset.done $0x0  }
0x54: {  	s16 =	sadd.s32 $0x0, s18;
	[sflag:s9] =	ssyncadd.s32 $0xFFFFC000  }
0x55: {  	[tilespmem:s22], [sflag:$0xA] =	stream.linear.gather [hbm4b:s16+s3], $0x80, $0x38;
	[tilespmem:$0x1FF00] =	vst v63  }
0x56: {  	_ =	swait.ge [sflag:s25], $0x80  }
0x57: {  	[sflag:s25] =	ssyncset.done $0x0  }
0x58: {  	[sflag:s25] =	ssyncadd.s32 $0xFFFFFF80  }
0x59: {  	[tilespmem:s26], [sflag:$0x1] =	stream.indirect.gather [hbm4b:s4+s20], $0x80, s3, s20, $0xb8;
	[tilespmem:$0x1FF00] =	vst v63  }
0x5a: {  	_ =	swait.ge [sflag:s10], $0x4000  }
0x5b: {  	[sflag:s10] =	ssyncset.done $0x0  }
0x5c: {  	[sflag:s10] =	ssyncadd.s32 $0xFFFFC000  }
0x5d: {  	_ =	swait.ge [sflag:s11], $0x80  }
0x5e: {  	[sflag:s11] =	ssyncset.done $0x0  }
0x5f: {  	s24 =	rddreg [dreg:$0x5];
	[sflag:s11] =	ssyncadd.s32 $0xFFFFFF80  }
0x60: {  	[spmem:s2] =	stream.indirect.scatter.add.f32 [tilespmem:s5], [sflag:$0x6], $0x80, s0, s20, $0xb8;
	[tilespmem:$0x1FF00] =	vst v63  }
0x61: {  	s16 =	sadd.s32 $0x0, s24  }
0x62: {  	[tilespmem:s20], [sflag:$0x8] =	stream.linear.gather [hbm4b:s16+s3], $0x80, $0x38;
	[tilespmem:$0x1FF00] =	vst v63  }
0x63: {  	_ =	swait.ge [sflag:s12], $0x4000  }
0x64: {  	s7 =	rddreg [dreg:$0x6];
	[sflag:s12] =	ssyncset.done $0x0  }
0x65: {  	[sflag:s12] =	ssyncadd.s32 $0xFFFFC000;
	s17 =	sadd.s32 $0x0, s7  }
0x66: {  	[tilespmem:s23], [sflag:$0xB] =	stream.linear.gather [hbm4b:s17+s3], $0x80, $0x38;
	[tilespmem:$0x1FF00] =	vst v63  }
0x67: {  	_ =	swait.ge [sflag:s28], $0x80  }
0x68: {  	[sflag:s28] =	ssyncset.done $0x0  }
0x69: {  	[sflag:s28] =	ssyncadd.s32 $0xFFFFFF80  }
0x6a: {  	[tilespmem:s29], [sflag:$0x2] =	stream.indirect.gather [hbm4b:s4+s20], $0x80, s20, s20, $0xb8;
	[tilespmem:$0x1FF00] =	vst v63  }
0x6b: {  	_ =	swait.ge [sflag:s30], $0x4000  }
0x6c: {  	[sflag:s30] =	ssyncset.done $0x0  }
0x6d: {  	[sflag:s30] =	ssyncadd.s32 $0xFFFFC000  }
0x6e: {  	_ =	swait.ge [sflag:s31], $0x80  }
0x6f: {  	[sflag:s31] =	ssyncset.done $0x0  }
0x70: {  	[sflag:s31] =	ssyncadd.s32 $0xFFFFFF80  }
0x71: {  	[spmem:s2] =	stream.indirect.scatter.add.f32 [tilespmem:s26], [sflag:$0x4], $0x80, s22, s20, $0xb8;
	[tilespmem:$0x1FF00] =	vst v63  }
0x72: {  	s16 =	sadd.s32 $0x10, s16  }
0x73: {  	[tilespmem:s21], [sflag:$0x9] =	stream.linear.gather [hbm4b:s16+s3], $0x80, $0x38;
	[tilespmem:$0x1FF00] =	vst v63  }
0x74: {  	_ =	swait.ge [sflag:s13], $0x4000  }
0x75: {  	[sflag:s13] =	ssyncset.done $0x0  }
0x76: {  	s19 =	sadd.s32 $0x10, s17;
	[sflag:s13] =	ssyncadd.s32 $0xFFFFC000  }
0x77: {  	[tilespmem:s0], [sflag:$0xC] =	stream.linear.gather [hbm4b:s19+s3], $0x80, $0x38;
	[tilespmem:$0x1FF00] =	vst v63  }
0x78: {  	_ =	swait.ge [sflag:s1], $0x80  }
0x79: {  	[sflag:s1] =	ssyncset.done $0x0  }
0x7a: {  	[sflag:s1] =	ssyncadd.s32 $0xFFFFFF80  }
0x7b: {  	[tilespmem:s5], [sflag:$0x3] =	stream.indirect.gather [hbm4b:s4+s20], $0x80, s21, s20, $0xb8;
	[tilespmem:$0x1FF00] =	vst v63  }
0x7c: {  	_ =	swait.ge [sflag:s6], $0x4000  }
0x7d: {  	[sflag:s6] =	ssyncset.done $0x0  }
0x7e: {  	[sflag:s6] =	ssyncadd.s32 $0xFFFFC000  }
0x7f: {  	_ =	swait.ge [sflag:s8], $0x80  }
0x80: {  	[sflag:s8] =	ssyncset.done $0x0;
	s24 =	rddreg [dreg:$0x4]  }
0x81: {  	s16 =	simm.s32 $0x30;
	[sflag:s8] =	ssyncadd.s32 $0xFFFFFF80;
	s17 =	sadd.s32 $0x0, s24  }
0x82: {  	[spmem:s2] =	stream.indirect.scatter.add.f32 [tilespmem:s29], [sflag:$0x5], $0x80, s23, s20, $0xb8;
	[tilespmem:$0x1FF00] =	vst v63  }
.LBB2_2:
0x83: {  	[tilespmem:s3], [sflag:$0x7] =	stream.linear.gather [hbm4b:s17+s3], $0x80, $0x38;
	[tilespmem:$0x1FF00] =	vst v63  }
0x84: {  	_ =	swait.ge [sflag:s9], $0x4000  }
0x85: {  	s17 =	smov.u32 s16;
	[sflag:s9] =	ssyncset.done $0x0  }
0x86: {  	s24 =	sadd.s32 s17, s18;
	[sflag:s9] =	ssyncadd.s32 $0xFFFFC000  }
0x87: {  	[tilespmem:s22], [sflag:$0xA] =	stream.linear.gather [hbm4b:s24+s3], $0x80, $0x38;
	[tilespmem:$0x1FF00] =	vst v63  }
0x88: {  	_ =	swait.ge [sflag:s25], $0x80  }
0x89: {  	[sflag:s25] =	ssyncset.done $0x0  }
0x8a: {  	[sflag:s25] =	ssyncadd.s32 $0xFFFFFF80  }
0x8b: {  	[tilespmem:s26], [sflag:$0x1] =	stream.indirect.gather [hbm4b:s4+s20], $0x80, s3, s20, $0xb8;
	[tilespmem:$0x1FF00] =	vst v63  }
0x8c: {  	_ =	swait.ge [sflag:s10], $0x4000  }
0x8d: {  	[sflag:s10] =	ssyncset.done $0x0  }
0x8e: {  	[sflag:s10] =	ssyncadd.s32 $0xFFFFC000  }
0x8f: {  	_ =	swait.ge [sflag:s11], $0x80  }
0x90: {  	[sflag:s11] =	ssyncset.done $0x0  }
0x91: {  	s19 =	rddreg [dreg:$0x5];
	[sflag:s11] =	ssyncadd.s32 $0xFFFFFF80  }
0x92: {  	[spmem:s2] =	stream.indirect.scatter.add.f32 [tilespmem:s5], [sflag:$0x6], $0x80, s0, s20, $0xb8;
	[tilespmem:$0x1FF00] =	vst v63  }
0x93: {  	s24 =	sadd.s32 s17, s19  }
0x94: {  	[tilespmem:s20], [sflag:$0x8] =	stream.linear.gather [hbm4b:s24+s3], $0x80, $0x38;
	[tilespmem:$0x1FF00] =	vst v63  }
0x95: {  	_ =	swait.ge [sflag:s12], $0x4000  }
0x96: {  	s7 =	rddreg [dreg:$0x6];
	[sflag:s12] =	ssyncset.done $0x0  }
0x97: {  	[sflag:s12] =	ssyncadd.s32 $0xFFFFC000;
	s7 =	sadd.s32 s17, s7  }
0x98: {  	[tilespmem:s23], [sflag:$0xB] =	stream.linear.gather [hbm4b:s7+s3], $0x80, $0x38;
	[tilespmem:$0x1FF00] =	vst v63  }
0x99: {  	_ =	swait.ge [sflag:s28], $0x80  }
0x9a: {  	[sflag:s28] =	ssyncset.done $0x0  }
0x9b: {  	[sflag:s28] =	ssyncadd.s32 $0xFFFFFF80  }
0x9c: {  	[tilespmem:s29], [sflag:$0x2] =	stream.indirect.gather [hbm4b:s4+s20], $0x80, s20, s20, $0xb8;
	[tilespmem:$0x1FF00] =	vst v63  }
0x9d: {  	_ =	swait.ge [sflag:s30], $0x4000  }
0x9e: {  	[sflag:s30] =	ssyncset.done $0x0  }
0x9f: {  	[sflag:s30] =	ssyncadd.s32 $0xFFFFC000  }
0xa0: {  	_ =	swait.ge [sflag:s31], $0x80  }
0xa1: {  	[sflag:s31] =	ssyncset.done $0x0  }
0xa2: {  	[sflag:s31] =	ssyncadd.s32 $0xFFFFFF80  }
0xa3: {  	[spmem:s2] =	stream.indirect.scatter.add.f32 [tilespmem:s26], [sflag:$0x4], $0x80, s22, s20, $0xb8;
	[tilespmem:$0x1FF00] =	vst v63  }
0xa4: {  	s24 =	sadd.s32 $0x10, s24  }
0xa5: {  	[tilespmem:s21], [sflag:$0x9] =	stream.linear.gather [hbm4b:s24+s3], $0x80, $0x38;
	[tilespmem:$0x1FF00] =	vst v63  }
0xa6: {  	_ =	swait.ge [sflag:s13], $0x4000  }
0xa7: {  	[sflag:s13] =	ssyncset.done $0x0  }
0xa8: {  	s7 =	sadd.s32 $0x10, s7;
	[sflag:s13] =	ssyncadd.s32 $0xFFFFC000  }
0xa9: {  	[tilespmem:s0], [sflag:$0xC] =	stream.linear.gather [hbm4b:s7+s3], $0x80, $0x38;
	[tilespmem:$0x1FF00] =	vst v63  }
0xaa: {  	_ =	swait.ge [sflag:s1], $0x80  }
0xab: {  	[sflag:s1] =	ssyncset.done $0x0  }
0xac: {  	[sflag:s1] =	ssyncadd.s32 $0xFFFFFF80  }
0xad: {  	[tilespmem:s5], [sflag:$0x3] =	stream.indirect.gather [hbm4b:s4+s20], $0x80, s21, s20, $0xb8;
	[tilespmem:$0x1FF00] =	vst v63  }
0xae: {  	_ =	swait.ge [sflag:s6], $0x4000  }
0xaf: {  	p1 =	sne.s32 s16, $0x480;
	[sflag:s6] =	ssyncset.done $0x0  }
.Ltmp0:
0xb0: {  	[sflag:s6] =	ssyncadd.s32 $0xFFFFC000;
	(pc) =	sbr.rel @p1 .LBB2_2-.Ltmp0, $4  }
0xb1: {  	_ =	swait.ge [sflag:s8], $0x80  }
0xb2: {  	[sflag:s8] =	ssyncset.done $0x0;
	s24 =	rddreg [dreg:$0x4]  }
0xb3: {  	s16 =	sadd.s32 $0x30, s16;
	[sflag:s8] =	ssyncadd.s32 $0xFFFFFF80;
	s17 =	sadd.s32 s17, s24  }
0xb4: {  	[spmem:s2] =	stream.indirect.scatter.add.f32 [tilespmem:s29], [sflag:$0x5], $0x80, s23, s20, $0xb8;
	[tilespmem:$0x1FF00] =	vst v63  }
0xb5: {  	[tilespmem:s3], [sflag:$0x7] =	stream.linear.gather [hbm4b:s17+s3], $0x80, $0x38;
	[tilespmem:$0x1FF00] =	vst v63  }
0xb6: {  	_ =	swait.ge [sflag:s9], $0x4000  }
0xb7: {  	[sflag:s9] =	ssyncset.done $0x0  }
0xb8: {  	[sflag:s9] =	ssyncadd.s32 $0xFFFFC000  }
0xb9: {  	_ =	swait.ge [sflag:s10], $0x4000  }
0xba: {  	[sflag:s10] =	ssyncset.done $0x0  }
0xbb: {  	[sflag:s10] =	ssyncadd.s32 $0xFFFFC000  }
0xbc: {  	_ =	swait.ge [sflag:s11], $0x80  }
0xbd: {  	[sflag:s11] =	ssyncset.done $0x0  }
0xbe: {  	[sflag:s11] =	ssyncadd.s32 $0xFFFFFF80  }
0xbf: {  	[spmem:s2] =	stream.indirect.scatter.add.f32 [tilespmem:s5], [sflag:$0x6], $0x80, s0, s20, $0xb8;
	[tilespmem:$0x1FF00] =	vst v63  }
0xc0: {  	_ =	swait.ge [sflag:s12], $0x4000  }
0xc1: {  	[sflag:s12] =	ssyncset.done $0x0  }
0xc2: {  	[sflag:s12] =	ssyncadd.s32 $0xFFFFC000  }
0xc3: {  	_ =	swait.ge [sflag:s13], $0x4000  }
0xc4: {  	[sflag:s13] =	ssyncset.done $0x0  }
0xc5: {  	[sflag:s13] =	ssyncadd.s32 $0xFFFFC000  }
0xc6: {  	_ =	swait.ge [sflag:s25], $0x80  }
0xc7: {  	[sflag:s25] =	ssyncset.done $0x0  }
0xc8: {  	s7 =	simm.s32 @!p0 $0x0;
	s16 =	rddreg [dreg:$0x11];
	[sflag:s25] =	ssyncadd.s32 $0xFFFFFF80  }
0xc9: {  	[tilespmem:s7], [sflag:$0xD] =	stream.linear.gather @!p0 [hbm4b:s16+s7], $0x80, $0x38;
	[tilespmem:$0x1FF00] =	vst v63  }
0xca: {  	s16 =	simm.s32 @!p0 $0xD  }
0xcb: {  	_ =	swait.ge @!p0 [sflag:s16], $0x80  }
0xcc: {  	[sflag:s16] =	ssyncset.done @!p0 $0x0  }
0xcd: {  	s17 =	simm.s32 @!p0 $0x180;
	s19 =	rddreg [dreg:$0x12];
	[sflag:s16] =	ssyncadd.s32 @!p0 $0xFFFFFF80  }
0xce: {  	[tilespmem:s17], [sflag:$0xD] =	stream.linear.gather @!p0 [hbm4b:s19+s7], $0x80, $0x38;
	[tilespmem:$0x1FF00] =	vst v63  }
0xcf: {  	_ =	swait.ge @!p0 [sflag:s16], $0x80  }
0xd0: {  	[sflag:s16] =	ssyncset.done @!p0 $0x0  }
0xd1: {  	s24 =	simm.s32 @!p0 $0x80;
	s19 =	simm.s32 @!p0 $0x300;
	[sflag:s16] =	ssyncadd.s32 @!p0 $0xFFFFFF80  }
0xd2: {  	[tilespmem:s19], [sflag:$0x1] =	stream.indirect.gather @!p0 [hbm4b:s4+s24], $0x80, s7, s24, $0xb8;
	[tilespmem:$0x1FF00] =	vst v63  }
0xd3: {  	s7 =	simm.s32 @!p0 $0x1  }
0xd4: {  	_ =	swait.ge @!p0 [sflag:s7], $0x4000  }
0xd5: {  	[sflag:s7] =	ssyncset.done @!p0 $0x0  }
0xd6: {  	[sflag:s7] =	ssyncadd.s32 @!p0 $0xFFFFC000  }
0xd7: {  	[spmem:s2] =	stream.indirect.scatter.add.f32 @!p0 [tilespmem:s19], [sflag:$0xD], $0x80, s17, s24, $0xb8;
	[tilespmem:$0x1FF00] =	vst v63  }
0xd8: {  	_ =	swait.ge @!p0 [sflag:s16], $0x4000  }
0xd9: {  	[sflag:s16] =	ssyncset.done @!p0 $0x0  }
0xda: {  	[sflag:s16] =	ssyncadd.s32 @!p0 $0xFFFFC000  }
0xdb: {  	[bflag:$0x0] =	sbarrier.arrive $0xFFFF  }
0xdc: {  	s17 =	rddreg [dreg:$0x9]  }
0xdd: {  	s19 =	rddreg [dreg:$0x14]  }
0xde: {  	[hbm:s19], [sflag:s17] =	dma.local [spmem:s15], $0x2780  }
0xdf: {  	s19 =	simm.s32 $0xD  }
0xe0: {  	_ =	swait.ge [sflag:s19], $0x2780  }
0xe1: {  	s14 =	sadd.s32 $0x1, s14;
	s24 =	rddreg [dreg:$0x13]  }
0xe2: {  	p1 =	sne.s32 s14, s24  }
.Ltmp1:
0xe3: {  	_ = 	snop;
	(pc) =	sbr.rel @p1 .LBB2_1-.Ltmp1, $3  }
0xe4: {  	_ =	sdelay $0x1  }
0xe5: {  	[sflag:s19] =	ssyncset.done $0x0  }
0xe6: {  	[sflag:s19] =	ssyncadd.s32 $0xFFFFD880  }
0xe7: {  	_ =	sfence.sel $0x180000  }
0xe8: {  	[bflag:$0x0] =	sbarrier.arrive $0xFFFF  }
0xe9: {  	_ =	strace $0x90000047  }
0xea: {  	s0 =	stileid.u32;
	[bflag:$0x2] =	sbarrier.arrive $0xFFFF  }
0xeb: {  	p0 =	sne.s32 s0, $0x0;
	s0 =	rddreg [dreg:$0x3]  }
0xec: {  	s0 =	sadd.s32 @!p0 $0x100000, s0  }
0xed: {  	[sflag:s0] =	ssyncadd.tile.s32 @!p0 $0x1;
	_ =	shalt  }
.Lfunc_end2:
_tile_overlayer_lowered:
.L_overlay_start_2:
0xee: {  	(tag) =	ssettag $0x2  }
0xef: {  	s0 =	rddreg [dreg:$0x0];
	s2 =	stileid.u32  }
0xf0: {  	s1 =	rddreg [dreg:$0x1];
	p0 =	sne.s32 s2, $0x0  }
0xf1: {  	s3 =	rddreg [dreg:$0x2];
	[bflag:$0x3] =	sbarrier.arrive $0xFFFF;
	s2 =	simm.s32 @!p0 $0x1C0D  }
0xf2: {  	[timem:s3], [sflag:s2] =	dma.local @!p0 [hbm:s0], s1  }
0xf3: {  	s0 =	simm.s32 @!p0 $0xD  }
0xf4: {  	_ =	swait.ge @!p0 [sflag:s0], s1  }
0xf5: {  	s1 =	ssub.s32 @!p0 $0x0, s1;
	[sflag:s0] =	ssyncset.done @!p0 $0x0  }
0xf6: {  	[sflag:s0] =	ssyncadd.s32 @!p0 s1  }
0xf7: {  	[bflag:$0x3] =	sbarrier.arrive $0xFFFF  }
0xf8: {  	_ =	shalt  }

</sc_bundles>
